<compile_context>
chip_gen: v7x
topology: tpu7x:2x2x1
jax: 0.10.2.dev20260603
libtpu: 0.0.44.dev20260713+nightly
codegen_flags: <defaults>
</compile_context>

<pallas_src>
import functools

import jax
import jax.numpy as jnp
from jax import lax
from jax.experimental import pallas as pl
from jax.experimental.pallas import tpu as pltpu
from jax.experimental.pallas import tpu_sc as plsc

B = 16384
L = 200
EMB = 128
VPAD = 16

NUM_WORKERS = 32
ROWS_PER_W = B // NUM_WORKERS
GROUPS = ROWS_PER_W // 16


def _sc_histogram_t(sk_t, lengths):
    mesh = plsc.VectorSubcoreMesh(core_axis_name="c", subcore_axis_name="s")

    @functools.partial(
        pl.kernel,
        mesh=mesh,
        out_type=jax.ShapeDtypeStruct((VPAD, B), jnp.float32),
        compiler_params=pltpu.CompilerParams(
            use_tc_tiling_on_sc=True, needs_layout_passes=False
        ),
        scratch_types=[
            pltpu.VMEM((L, ROWS_PER_W), jnp.int32),
            pltpu.VMEM((ROWS_PER_W,), jnp.int32),
            pltpu.VMEM((VPAD * ROWS_PER_W,), jnp.float32),
            pltpu.VMEM((VPAD, ROWS_PER_W), jnp.float32),
        ],
    )
    def hist(skt_hbm, len_hbm, counts_hbm, slab_v, lens_v, acc_v, stage_v):
        wid = lax.axis_index("s") * 2 + lax.axis_index("c")
        base = wid * ROWS_PER_W
        pltpu.sync_copy(skt_hbm.at[:, pl.ds(base, ROWS_PER_W)], slab_v)
        pltpu.sync_copy(len_hbm.at[pl.ds(base, ROWS_PER_W)], lens_v)

        iota = lax.iota(jnp.int32, 16)
        ones = jnp.ones((16,), jnp.float32)
        zeros = jnp.zeros((16,), jnp.float32)

        @plsc.parallel_loop(0, VPAD * ROWS_PER_W, step=16, unroll=8)
        def _zero(i):
            acc_v[pl.ds(i, 16)] = zeros

        def group_body(g, carry):
            rows = g * 16 + iota
            lens16 = lens_v[pl.ds(g * 16, 16)]

            @plsc.parallel_loop(0, L, unroll=8)
            def _pos(l):
                vals = slab_v[l, pl.ds(g * 16, 16)]
                mask = l < lens16
                plsc.addupdate_scatter(
                    acc_v, [vals * ROWS_PER_W + rows], ones, mask=mask
                )

            return carry

        lax.fori_loop(0, GROUPS, group_body, 0)

        for v in range(VPAD):
            @plsc.parallel_loop(0, ROWS_PER_W, step=16, unroll=8)
            def _stage(i, _v=v):
                stage_v[_v, pl.ds(i, 16)] = acc_v[pl.ds(_v * ROWS_PER_W + i, 16)]

        pltpu.sync_copy(stage_v, counts_hbm.at[:, pl.ds(base, ROWS_PER_W)])

    return hist(sk_t, lengths)


def _tc_matmul(counts_t, table_pad):
    BM = 4096

    def mm(counts_ref, table_ref, out_ref):
        out_ref[...] = lax.dot_general(
            counts_ref[...],
            table_ref[...],
            (((0,), (0,)), ((), ())),
            preferred_element_type=jnp.float32,
        )

    return pl.pallas_call(
        mm,
        grid=(B // BM,),
        in_specs=[
            pl.BlockSpec((VPAD, BM), lambda i: (0, i)),
            pl.BlockSpec((VPAD, EMB), lambda i: (0, 0)),
        ],
        out_specs=pl.BlockSpec((BM, EMB), lambda i: (i, 0)),
        out_shape=jax.ShapeDtypeStruct((B, EMB), jnp.float32),
    )(counts_t, table_pad)


def kernel(sketchs, sketch_lengths, table):
    sk_t = jnp.transpose(jnp.asarray(sketchs, jnp.int32))
    lengths = jnp.asarray(sketch_lengths, jnp.int32)
    table_pad = jnp.zeros((VPAD, EMB), jnp.float32).at[:10, :].set(table)
    counts_t = _sc_histogram_t(sk_t, lengths)
    return _tc_matmul(counts_t, table_pad)

# --- scband reference (transcript-rebuilt; emitter-appended) ---
"""Pipeline reference for scband-sketch-embedding-65498251264694 (READ-ONLY COPY).

The authoritative reference and input builder live on the scoring server;
editing this copy changes nothing except your own understanding.
"""

import jax, jax.numpy as jnp
import numpy as np

B = 16384
L = 200
EMB = 128
VOCAB = 10


def setup_inputs(seed: int = 0) -> dict:
    key = jax.random.key(seed)
    k1, k2, k3 = jax.random.split(key, 3)
    sketchs = jax.random.randint(k1, (B, L), 0, VOCAB, dtype=jnp.int64)
    sketch_lengths = jax.random.randint(k2, (B,), 0, L + 1, dtype=jnp.int64)
    # ensure max length equals L so the mask broadcast matches torch semantics deterministically
    sketch_lengths = sketch_lengths.at[0].set(L)
    table = jax.random.normal(k3, (VOCAB, EMB), dtype=jnp.float32)
    return {"sketchs": sketchs, "sketch_lengths": sketch_lengths, "table": table}


def sequence_mask(lengths, max_len=None):
    """ True for i < lengths. False for i >= lengths """
    if max_len is None:
        max_len = int(lengths.max())
    return jnp.arange(max_len)[None, :] < lengths[:, None]


def reference(sketchs, sketch_lengths, table):
    # nn.Embedding lookup -> gather rows of the table
    sketchs_emb = jnp.take(table, sketchs, axis=0)          # [B, L, EMB]
    sketch_mask = sequence_mask(sketch_lengths, max_len=sketchs.shape[1]).astype(jnp.float32)  # [B, max_len]
    out = (sketchs_emb * sketch_mask[:, :, None]).sum(-2)   # [B, EMB]
    return out

if __name__ == "__main__":
    import jax
    _d = setup_inputs()
    print(jax.jit(kernel)(*tuple(_d.values())))

</pallas_src>

<mosaic_0001>
#map = affine_map<(d0, d1) -> (0, 0)>
#map1 = affine_map<(d0, d1) -> (0)>
module attributes {stable_mosaic.version = 14 : i64} {
  func.func @hist(%arg0: i32, %arg1: i32, %arg2: memref<200x16384xi32, #tpu.memory_space<hbm>>, %arg3: memref<16384xi32, #tpu.memory_space<hbm>>, %arg4: memref<16x16384xf32, #tpu.memory_space<hbm>>, %arg5: memref<200x512xi32, #tpu.memory_space<vmem>>, %arg6: memref<512xi32, #tpu.memory_space<vmem>>, %arg7: memref<8192xf32, #tpu.memory_space<vmem>>, %arg8: memref<16x512xf32, #tpu.memory_space<vmem>>) attributes {dimension_semantics = [#tpu.dimension_semantics<core_parallel>, #tpu.dimension_semantics<subcore_parallel>], iteration_bounds = array<i64: 2, 16>, scalar_prefetch = 0 : i64, scratch_operands = 4 : i64, tpu.core_type = #tpu.core_type<sc_vector_subcore>, window_params = [{transform_indices = #map}, {transform_indices = #map1}, {transform_indices = #map}]} {
    %mul3A = arith.constant 2 : i32
    %mul3A_0 = arith.muli %arg1, %mul3A : i32
    %add3A = arith.addi %mul3A_0, %arg0 : i32
    %mul3A_1 = arith.constant 512 : i32
    %mul3A_2 = arith.muli %add3A, %mul3A_1 : i32
    "tpu.region"() ({
      %run_scoped3A = tpu.sem_alloc : memref<!tpu.dma_semaphore, #tpu.memory_space<semaphore_mem>>
      %dma_start3A = arith.constant 0 : i32
      %dma_start3A_61 = tpu.memref_slice %arg2[%dma_start3A, %mul3A_2] : memref<200x16384xi32, #tpu.memory_space<hbm>> -> memref<200x512xi32, #tpu.memory_space<hbm>>
      %dma_start3A_62 = arith.constant 0 : i32
      %dma_start3A_63 = tpu.memref_slice %arg2[%dma_start3A_62, %mul3A_2] : memref<200x16384xi32, #tpu.memory_space<hbm>> -> memref<200x512xi32, #tpu.memory_space<hbm>>
      tpu.enqueue_dma source(%dma_start3A_63 : memref<200x512xi32, #tpu.memory_space<hbm>>) target(%arg5 : memref<200x512xi32, #tpu.memory_space<vmem>>) target_semaphore(%run_scoped3A : memref<!tpu.dma_semaphore, #tpu.memory_space<semaphore_mem>>)
      %dma_wait3A = arith.constant 0 : i32
      %dma_wait3A_64 = tpu.memref_slice %arg2[%dma_wait3A, %mul3A_2] : memref<200x16384xi32, #tpu.memory_space<hbm>> -> memref<200x512xi32, #tpu.memory_space<hbm>>
      %dma_wait3A_65 = arith.constant 0 : i32
      %dma_wait3A_66 = tpu.memref_slice %arg2[%dma_wait3A_65, %mul3A_2] : memref<200x16384xi32, #tpu.memory_space<hbm>> -> memref<200x512xi32, #tpu.memory_space<hbm>>
      tpu.wait_dma2 semaphore(%run_scoped3A : memref<!tpu.dma_semaphore, #tpu.memory_space<semaphore_mem>>) src(%dma_wait3A_66 : memref<200x512xi32, #tpu.memory_space<hbm>>) dst(%arg5 : memref<200x512xi32, #tpu.memory_space<vmem>>)
      tpu.yield
    }) : () -> ()
    "tpu.region"() ({
      %run_scoped3A = tpu.sem_alloc : memref<!tpu.dma_semaphore, #tpu.memory_space<semaphore_mem>>
      %dma_start3A = tpu.memref_slice %arg3[%mul3A_2] : memref<16384xi32, #tpu.memory_space<hbm>> -> memref<512xi32, #tpu.memory_space<hbm>>
      %dma_start3A_61 = tpu.memref_slice %arg3[%mul3A_2] : memref<16384xi32, #tpu.memory_space<hbm>> -> memref<512xi32, #tpu.memory_space<hbm>>
      tpu.enqueue_dma source(%dma_start3A_61 : memref<512xi32, #tpu.memory_space<hbm>>) target(%arg6 : memref<512xi32, #tpu.memory_space<vmem>>) target_semaphore(%run_scoped3A : memref<!tpu.dma_semaphore, #tpu.memory_space<semaphore_mem>>)
      %dma_wait3A = tpu.memref_slice %arg3[%mul3A_2] : memref<16384xi32, #tpu.memory_space<hbm>> -> memref<512xi32, #tpu.memory_space<hbm>>
      %dma_wait3A_62 = tpu.memref_slice %arg3[%mul3A_2] : memref<16384xi32, #tpu.memory_space<hbm>> -> memref<512xi32, #tpu.memory_space<hbm>>
      tpu.wait_dma2 semaphore(%run_scoped3A : memref<!tpu.dma_semaphore, #tpu.memory_space<semaphore_mem>>) src(%dma_wait3A_62 : memref<512xi32, #tpu.memory_space<hbm>>) dst(%arg6 : memref<512xi32, #tpu.memory_space<vmem>>)
      tpu.yield
    }) : () -> ()
    %iota3A = tpu.iota {dimensions = array<i32: 0>} : vector<16xi32>
    %broadcast_in_dim3A = arith.constant 1.000000e+00 : f32
    %broadcast_in_dim3A_3 = vector.broadcast %broadcast_in_dim3A : f32 to vector<16xf32>
    %broadcast_in_dim3A_4 = arith.constant 0.000000e+00 : f32
    %broadcast_in_dim3A_5 = vector.broadcast %broadcast_in_dim3A_4 : f32 to vector<16xf32>
    %parallel_loop3A = arith.constant 0 : i32
    %parallel_loop3A_6 = arith.constant 8192 : i32
    %parallel_loop3A_7 = arith.constant 16 : i32
    scf.for %parallel_loop3A_61 = %parallel_loop3A to %parallel_loop3A_6 step %parallel_loop3A_7  : i32 {
      %parallel_loop3A_62 = arith.index_cast %parallel_loop3A_61 : i32 to index
      %parallel_loop3A_63 = tpu.vector_load %arg7[%parallel_loop3A_62] {strides = array<i32>} : memref<8192xf32, #tpu.memory_space<vmem>>, vector<16xf32>,
      tpu.vector_store %arg7[%parallel_loop3A_62], %broadcast_in_dim3A_5 {strides = array<i32>} : memref<8192xf32, #tpu.memory_space<vmem>>, vector<16xf32>,
    } {sc.loop_unroll_factor = 8 : i64, sc.parallel_access}
    %scan3A = arith.constant 0 : i32
    %scan3A_8 = arith.constant 0 : i32
    %scan3A_9 = arith.constant 32 : i32
    %scan3A_10 = arith.addi %scan3A_8, %scan3A_9 : i32
    %scan3A_11 = arith.constant 1 : i32
    scf.for %scan3A_61 = %scan3A_8 to %scan3A_10 step %scan3A_11  : i32 {
      %mul3A_62 = arith.constant 16 : i32
      %mul3A_63 = arith.muli %scan3A_61, %mul3A_62 : i32
      %add3A_64 = vector.broadcast %mul3A_63 : i32 to vector<16xi32>
      %add3A_65 = arith.addi %add3A_64, %iota3A : vector<16xi32>
      %mul3A_66 = arith.constant 16 : i32
      %mul3A_67 = arith.muli %scan3A_61, %mul3A_66 : i32
      %get3A = arith.index_cast %mul3A_67 : i32 to index
      %get3A_68 = tpu.vector_load %arg6[%get3A] {strides = array<i32>} : memref<512xi32, #tpu.memory_space<vmem>>, vector<16xi32>,
      %parallel_loop3A_69 = arith.constant 0 : i32
      %parallel_loop3A_70 = arith.constant 200 : i32
      %parallel_loop3A_71 = arith.constant 1 : i32
      scf.for %parallel_loop3A_72 = %parallel_loop3A_69 to %parallel_loop3A_70 step %parallel_loop3A_71  : i32 {
        %parallel_loop3A_73 = arith.constant 16 : i32
        %parallel_loop3A_74 = arith.muli %scan3A_61, %parallel_loop3A_73 : i32
        %parallel_loop3A_75 = arith.index_cast %parallel_loop3A_72 : i32 to index
        %parallel_loop3A_76 = arith.index_cast %parallel_loop3A_74 : i32 to index
        %parallel_loop3A_77 = tpu.vector_load %arg5[%parallel_loop3A_75, %parallel_loop3A_76] {strides = array<i32>} : memref<200x512xi32, #tpu.memory_space<vmem>>, vector<16xi32>,
        %parallel_loop3A_78 = vector.broadcast %parallel_loop3A_72 : i32 to vector<16xi32>
        %parallel_loop3A_79 = arith.cmpi slt, %parallel_loop3A_78, %get3A_68 : vector<16xi32>
        %parallel_loop3A_80 = arith.constant 512 : i32
        %parallel_loop3A_81 = vector.broadcast %parallel_loop3A_80 : i32 to vector<16xi32>
        %parallel_loop3A_82 = arith.muli %parallel_loop3A_77, %parallel_loop3A_81 : vector<16xi32>
        %parallel_loop3A_83 = arith.addi %parallel_loop3A_82, %add3A_65 : vector<16xi32>
        tpu.vector_store_idx %arg7[%parallel_loop3A_83], %broadcast_in_dim3A_3 masked %parallel_loop3A_79 {add = true} : memref<8192xf32, #tpu.memory_space<vmem>>[vector<16xi32>], vector<16xf32>, vector<16xi1>
      } {sc.loop_unroll_factor = 8 : i64, sc.parallel_access}
    }
    %scan3A_12 = arith.constant 32 : i32
    %parallel_loop3A_13 = arith.constant 0 : i32
    %parallel_loop3A_14 = arith.constant 512 : i32
    %parallel_loop3A_15 = arith.constant 16 : i32
    scf.for %parallel_loop3A_61 = %parallel_loop3A_13 to %parallel_loop3A_14 step %parallel_loop3A_15  : i32 {
      %parallel_loop3A_62 = arith.constant 0 : i32
      %parallel_loop3A_63 = arith.addi %parallel_loop3A_62, %parallel_loop3A_61 : i32
      %parallel_loop3A_64 = arith.index_cast %parallel_loop3A_63 : i32 to index
      %parallel_loop3A_65 = tpu.vector_load %arg7[%parallel_loop3A_64] {strides = array<i32>} : memref<8192xf32, #tpu.memory_space<vmem>>, vector<16xf32>,
      %parallel_loop3A_66 = arith.constant 0 : i32
      %parallel_loop3A_67 = arith.index_cast %parallel_loop3A_66 : i32 to index
      %parallel_loop3A_68 = arith.index_cast %parallel_loop3A_61 : i32 to index
      %parallel_loop3A_69 = tpu.vector_load %arg8[%parallel_loop3A_67, %parallel_loop3A_68] {strides = array<i32>} : memref<16x512xf32, #tpu.memory_space<vmem>>, vector<16xf32>,
      tpu.vector_store %arg8[%parallel_loop3A_67, %parallel_loop3A_68], %parallel_loop3A_65 {strides = array<i32>} : memref<16x512xf32, #tpu.memory_space<vmem>>, vector<16xf32>,
    } {sc.loop_unroll_factor = 8 : i64, sc.parallel_access}
    %parallel_loop3A_16 = arith.constant 0 : i32
    %parallel_loop3A_17 = arith.constant 512 : i32
    %parallel_loop3A_18 = arith.constant 16 : i32
    scf.for %parallel_loop3A_61 = %parallel_loop3A_16 to %parallel_loop3A_17 step %parallel_loop3A_18  : i32 {
      %parallel_loop3A_62 = arith.constant 512 : i32
      %parallel_loop3A_63 = arith.addi %parallel_loop3A_62, %parallel_loop3A_61 : i32
      %parallel_loop3A_64 = arith.index_cast %parallel_loop3A_63 : i32 to index
      %parallel_loop3A_65 = tpu.vector_load %arg7[%parallel_loop3A_64] {strides = array<i32>} : memref<8192xf32, #tpu.memory_space<vmem>>, vector<16xf32>,
      %parallel_loop3A_66 = arith.constant 1 : i32
      %parallel_loop3A_67 = arith.index_cast %parallel_loop3A_66 : i32 to index
      %parallel_loop3A_68 = arith.index_cast %parallel_loop3A_61 : i32 to index
      %parallel_loop3A_69 = tpu.vector_load %arg8[%parallel_loop3A_67, %parallel_loop3A_68] {strides = array<i32>} : memref<16x512xf32, #tpu.memory_space<vmem>>, vector<16xf32>,
      tpu.vector_store %arg8[%parallel_loop3A_67, %parallel_loop3A_68], %parallel_loop3A_65 {strides = array<i32>} : memref<16x512xf32, #tpu.memory_space<vmem>>, vector<16xf32>,
    } {sc.loop_unroll_factor = 8 : i64, sc.parallel_access}
    %parallel_loop3A_19 = arith.constant 0 : i32
    %parallel_loop3A_20 = arith.constant 512 : i32
    %parallel_loop3A_21 = arith.constant 16 : i32
    scf.for %parallel_loop3A_61 = %parallel_loop3A_19 to %parallel_loop3A_20 step %parallel_loop3A_21  : i32 {
      %parallel_loop3A_62 = arith.constant 1024 : i32
      %parallel_loop3A_63 = arith.addi %parallel_loop3A_62, %parallel_loop3A_61 : i32
      %parallel_loop3A_64 = arith.index_cast %parallel_loop3A_63 : i32 to index
      %parallel_loop3A_65 = tpu.vector_load %arg7[%parallel_loop3A_64] {strides = array<i32>} : memref<8192xf32, #tpu.memory_space<vmem>>, vector<16xf32>,
      %parallel_loop3A_66 = arith.constant 2 : i32
      %parallel_loop3A_67 = arith.index_cast %parallel_loop3A_66 : i32 to index
      %parallel_loop3A_68 = arith.index_cast %parallel_loop3A_61 : i32 to index
      %parallel_loop3A_69 = tpu.vector_load %arg8[%parallel_loop3A_67, %parallel_loop3A_68] {strides = array<i32>} : memref<16x512xf32, #tpu.memory_space<vmem>>, vector<16xf32>,
      tpu.vector_store %arg8[%parallel_loop3A_67, %parallel_loop3A_68], %parallel_loop3A_65 {strides = array<i32>} : memref<16x512xf32, #tpu.memory_space<vmem>>, vector<16xf32>,
    } {sc.loop_unroll_factor = 8 : i64, sc.parallel_access}
    %parallel_loop3A_22 = arith.constant 0 : i32
    %parallel_loop3A_23 = arith.constant 512 : i32
    %parallel_loop3A_24 = arith.constant 16 : i32
    scf.for %parallel_loop3A_61 = %parallel_loop3A_22 to %parallel_loop3A_23 step %parallel_loop3A_24  : i32 {
      %parallel_loop3A_62 = arith.constant 1536 : i32
      %parallel_loop3A_63 = arith.addi %parallel_loop3A_62, %parallel_loop3A_61 : i32
      %parallel_loop3A_64 = arith.index_cast %parallel_loop3A_63 : i32 to index
      %parallel_loop3A_65 = tpu.vector_load %arg7[%parallel_loop3A_64] {strides = array<i32>} : memref<8192xf32, #tpu.memory_space<vmem>>, vector<16xf32>,
      %parallel_loop3A_66 = arith.constant 3 : i32
      %parallel_loop3A_67 = arith.index_cast %parallel_loop3A_66 : i32 to index
      %parallel_loop3A_68 = arith.index_cast %parallel_loop3A_61 : i32 to index
      %parallel_loop3A_69 = tpu.vector_load %arg8[%parallel_loop3A_67, %parallel_loop3A_68] {strides = array<i32>} : memref<16x512xf32, #tpu.memory_space<vmem>>, vector<16xf32>,
      tpu.vector_store %arg8[%parallel_loop3A_67, %parallel_loop3A_68], %parallel_loop3A_65 {strides = array<i32>} : memref<16x512xf32, #tpu.memory_space<vmem>>, vector<16xf32>,
    } {sc.loop_unroll_factor = 8 : i64, sc.parallel_access}
    %parallel_loop3A_25 = arith.constant 0 : i32
    %parallel_loop3A_26 = arith.constant 512 : i32
    %parallel_loop3A_27 = arith.constant 16 : i32
    scf.for %parallel_loop3A_61 = %parallel_loop3A_25 to %parallel_loop3A_26 step %parallel_loop3A_27  : i32 {
      %parallel_loop3A_62 = arith.constant 2048 : i32
      %parallel_loop3A_63 = arith.addi %parallel_loop3A_62, %parallel_loop3A_61 : i32
      %parallel_loop3A_64 = arith.index_cast %parallel_loop3A_63 : i32 to index
      %parallel_loop3A_65 = tpu.vector_load %arg7[%parallel_loop3A_64] {strides = array<i32>} : memref<8192xf32, #tpu.memory_space<vmem>>, vector<16xf32>,
      %parallel_loop3A_66 = arith.constant 4 : i32
      %parallel_loop3A_67 = arith.index_cast %parallel_loop3A_66 : i32 to index
      %parallel_loop3A_68 = arith.index_cast %parallel_loop3A_61 : i32 to index
      %parallel_loop3A_69 = tpu.vector_load %arg8[%parallel_loop3A_67, %parallel_loop3A_68] {strides = array<i32>} : memref<16x512xf32, #tpu.memory_space<vmem>>, vector<16xf32>,
      tpu.vector_store %arg8[%parallel_loop3A_67, %parallel_loop3A_68], %parallel_loop3A_65 {strides = array<i32>} : memref<16x512xf32, #tpu.memory_space<vmem>>, vector<16xf32>,
    } {sc.loop_unroll_factor = 8 : i64, sc.parallel_access}
    %parallel_loop3A_28 = arith.constant 0 : i32
    %parallel_loop3A_29 = arith.constant 512 : i32
    %parallel_loop3A_30 = arith.constant 16 : i32
    scf.for %parallel_loop3A_61 = %parallel_loop3A_28 to %parallel_loop3A_29 step %parallel_loop3A_30  : i32 {
      %parallel_loop3A_62 = arith.constant 2560 : i32
      %parallel_loop3A_63 = arith.addi %parallel_loop3A_62, %parallel_loop3A_61 : i32
      %parallel_loop3A_64 = arith.index_cast %parallel_loop3A_63 : i32 to index
      %parallel_loop3A_65 = tpu.vector_load %arg7[%parallel_loop3A_64] {strides = array<i32>} : memref<8192xf32, #tpu.memory_space<vmem>>, vector<16xf32>,
      %parallel_loop3A_66 = arith.constant 5 : i32
      %parallel_loop3A_67 = arith.index_cast %parallel_loop3A_66 : i32 to index
      %parallel_loop3A_68 = arith.index_cast %parallel_loop3A_61 : i32 to index
      %parallel_loop3A_69 = tpu.vector_load %arg8[%parallel_loop3A_67, %parallel_loop3A_68] {strides = array<i32>} : memref<16x512xf32, #tpu.memory_space<vmem>>, vector<16xf32>,
      tpu.vector_store %arg8[%parallel_loop3A_67, %parallel_loop3A_68], %parallel_loop3A_65 {strides = array<i32>} : memref<16x512xf32, #tpu.memory_space<vmem>>, vector<16xf32>,
    } {sc.loop_unroll_factor = 8 : i64, sc.parallel_access}
    %parallel_loop3A_31 = arith.constant 0 : i32
    %parallel_loop3A_32 = arith.constant 512 : i32
    %parallel_loop3A_33 = arith.constant 16 : i32
    scf.for %parallel_loop3A_61 = %parallel_loop3A_31 to %parallel_loop3A_32 step %parallel_loop3A_33  : i32 {
      %parallel_loop3A_62 = arith.constant 3072 : i32
      %parallel_loop3A_63 = arith.addi %parallel_loop3A_62, %parallel_loop3A_61 : i32
      %parallel_loop3A_64 = arith.index_cast %parallel_loop3A_63 : i32 to index
      %parallel_loop3A_65 = tpu.vector_load %arg7[%parallel_loop3A_64] {strides = array<i32>} : memref<8192xf32, #tpu.memory_space<vmem>>, vector<16xf32>,
      %parallel_loop3A_66 = arith.constant 6 : i32
      %parallel_loop3A_67 = arith.index_cast %parallel_loop3A_66 : i32 to index
      %parallel_loop3A_68 = arith.index_cast %parallel_loop3A_61 : i32 to index
      %parallel_loop3A_69 = tpu.vector_load %arg8[%parallel_loop3A_67, %parallel_loop3A_68] {strides = array<i32>} : memref<16x512xf32, #tpu.memory_space<vmem>>, vector<16xf32>,
      tpu.vector_store %arg8[%parallel_loop3A_67, %parallel_loop3A_68], %parallel_loop3A_65 {strides = array<i32>} : memref<16x512xf32, #tpu.memory_space<vmem>>, vector<16xf32>,
    } {sc.loop_unroll_factor = 8 : i64, sc.parallel_access}
    %parallel_loop3A_34 = arith.constant 0 : i32
    %parallel_loop3A_35 = arith.constant 512 : i32
    %parallel_loop3A_36 = arith.constant 16 : i32
    scf.for %parallel_loop3A_61 = %parallel_loop3A_34 to %parallel_loop3A_35 step %parallel_loop3A_36  : i32 {
      %parallel_loop3A_62 = arith.constant 3584 : i32
      %parallel_loop3A_63 = arith.addi %parallel_loop3A_62, %parallel_loop3A_61 : i32
      %parallel_loop3A_64 = arith.index_cast %parallel_loop3A_63 : i32 to index
      %parallel_loop3A_65 = tpu.vector_load %arg7[%parallel_loop3A_64] {strides = array<i32>} : memref<8192xf32, #tpu.memory_space<vmem>>, vector<16xf32>,
      %parallel_loop3A_66 = arith.constant 7 : i32
      %parallel_loop3A_67 = arith.index_cast %parallel_loop3A_66 : i32 to index
      %parallel_loop3A_68 = arith.index_cast %parallel_loop3A_61 : i32 to index
      %parallel_loop3A_69 = tpu.vector_load %arg8[%parallel_loop3A_67, %parallel_loop3A_68] {strides = array<i32>} : memref<16x512xf32, #tpu.memory_space<vmem>>, vector<16xf32>,
      tpu.vector_store %arg8[%parallel_loop3A_67, %parallel_loop3A_68], %parallel_loop3A_65 {strides = array<i32>} : memref<16x512xf32, #tpu.memory_space<vmem>>, vector<16xf32>,
    } {sc.loop_unroll_factor = 8 : i64, sc.parallel_access}
    %parallel_loop3A_37 = arith.constant 0 : i32
    %parallel_loop3A_38 = arith.constant 512 : i32
    %parallel_loop3A_39 = arith.constant 16 : i32
    scf.for %parallel_loop3A_61 = %parallel_loop3A_37 to %parallel_loop3A_38 step %parallel_loop3A_39  : i32 {
      %parallel_loop3A_62 = arith.constant 4096 : i32
      %parallel_loop3A_63 = arith.addi %parallel_loop3A_62, %parallel_loop3A_61 : i32
      %parallel_loop3A_64 = arith.index_cast %parallel_loop3A_63 : i32 to index
      %parallel_loop3A_65 = tpu.vector_load %arg7[%parallel_loop3A_64] {strides = array<i32>} : memref<8192xf32, #tpu.memory_space<vmem>>, vector<16xf32>,
      %parallel_loop3A_66 = arith.constant 8 : i32
      %parallel_loop3A_67 = arith.index_cast %parallel_loop3A_66 : i32 to index
      %parallel_loop3A_68 = arith.index_cast %parallel_loop3A_61 : i32 to index
      %parallel_loop3A_69 = tpu.vector_load %arg8[%parallel_loop3A_67, %parallel_loop3A_68] {strides = array<i32>} : memref<16x512xf32, #tpu.memory_space<vmem>>, vector<16xf32>,
      tpu.vector_store %arg8[%parallel_loop3A_67, %parallel_loop3A_68], %parallel_loop3A_65 {strides = array<i32>} : memref<16x512xf32, #tpu.memory_space<vmem>>, vector<16xf32>,
    } {sc.loop_unroll_factor = 8 : i64, sc.parallel_access}
    %parallel_loop3A_40 = arith.constant 0 : i32
    %parallel_loop3A_41 = arith.constant 512 : i32
    %parallel_loop3A_42 = arith.constant 16 : i32
    scf.for %parallel_loop3A_61 = %parallel_loop3A_40 to %parallel_loop3A_41 step %parallel_loop3A_42  : i32 {
      %parallel_loop3A_62 = arith.constant 4608 : i32
      %parallel_loop3A_63 = arith.addi %parallel_loop3A_62, %parallel_loop3A_61 : i32
      %parallel_loop3A_64 = arith.index_cast %parallel_loop3A_63 : i32 to index
      %parallel_loop3A_65 = tpu.vector_load %arg7[%parallel_loop3A_64] {strides = array<i32>} : memref<8192xf32, #tpu.memory_space<vmem>>, vector<16xf32>,
      %parallel_loop3A_66 = arith.constant 9 : i32
      %parallel_loop3A_67 = arith.index_cast %parallel_loop3A_66 : i32 to index
      %parallel_loop3A_68 = arith.index_cast %parallel_loop3A_61 : i32 to index
      %parallel_loop3A_69 = tpu.vector_load %arg8[%parallel_loop3A_67, %parallel_loop3A_68] {strides = array<i32>} : memref<16x512xf32, #tpu.memory_space<vmem>>, vector<16xf32>,
      tpu.vector_store %arg8[%parallel_loop3A_67, %parallel_loop3A_68], %parallel_loop3A_65 {strides = array<i32>} : memref<16x512xf32, #tpu.memory_space<vmem>>, vector<16xf32>,
    } {sc.loop_unroll_factor = 8 : i64, sc.parallel_access}
    %parallel_loop3A_43 = arith.constant 0 : i32
    %parallel_loop3A_44 = arith.constant 512 : i32
    %parallel_loop3A_45 = arith.constant 16 : i32
    scf.for %parallel_loop3A_61 = %parallel_loop3A_43 to %parallel_loop3A_44 step %parallel_loop3A_45  : i32 {
      %parallel_loop3A_62 = arith.constant 5120 : i32
      %parallel_loop3A_63 = arith.addi %parallel_loop3A_62, %parallel_loop3A_61 : i32
      %parallel_loop3A_64 = arith.index_cast %parallel_loop3A_63 : i32 to index
      %parallel_loop3A_65 = tpu.vector_load %arg7[%parallel_loop3A_64] {strides = array<i32>} : memref<8192xf32, #tpu.memory_space<vmem>>, vector<16xf32>,
      %parallel_loop3A_66 = arith.constant 10 : i32
      %parallel_loop3A_67 = arith.index_cast %parallel_loop3A_66 : i32 to index
      %parallel_loop3A_68 = arith.index_cast %parallel_loop3A_61 : i32 to index
      %parallel_loop3A_69 = tpu.vector_load %arg8[%parallel_loop3A_67, %parallel_loop3A_68] {strides = array<i32>} : memref<16x512xf32, #tpu.memory_space<vmem>>, vector<16xf32>,
      tpu.vector_store %arg8[%parallel_loop3A_67, %parallel_loop3A_68], %parallel_loop3A_65 {strides = array<i32>} : memref<16x512xf32, #tpu.memory_space<vmem>>, vector<16xf32>,
    } {sc.loop_unroll_factor = 8 : i64, sc.parallel_access}
    %parallel_loop3A_46 = arith.constant 0 : i32
    %parallel_loop3A_47 = arith.constant 512 : i32
    %parallel_loop3A_48 = arith.constant 16 : i32
    scf.for %parallel_loop3A_61 = %parallel_loop3A_46 to %parallel_loop3A_47 step %parallel_loop3A_48  : i32 {
      %parallel_loop3A_62 = arith.constant 5632 : i32
      %parallel_loop3A_63 = arith.addi %parallel_loop3A_62, %parallel_loop3A_61 : i32
      %parallel_loop3A_64 = arith.index_cast %parallel_loop3A_63 : i32 to index
      %parallel_loop3A_65 = tpu.vector_load %arg7[%parallel_loop3A_64] {strides = array<i32>} : memref<8192xf32, #tpu.memory_space<vmem>>, vector<16xf32>,
      %parallel_loop3A_66 = arith.constant 11 : i32
      %parallel_loop3A_67 = arith.index_cast %parallel_loop3A_66 : i32 to index
      %parallel_loop3A_68 = arith.index_cast %parallel_loop3A_61 : i32 to index
      %parallel_loop3A_69 = tpu.vector_load %arg8[%parallel_loop3A_67, %parallel_loop3A_68] {strides = array<i32>} : memref<16x512xf32, #tpu.memory_space<vmem>>, vector<16xf32>,
      tpu.vector_store %arg8[%parallel_loop3A_67, %parallel_loop3A_68], %parallel_loop3A_65 {strides = array<i32>} : memref<16x512xf32, #tpu.memory_space<vmem>>, vector<16xf32>,
    } {sc.loop_unroll_factor = 8 : i64, sc.parallel_access}
    %parallel_loop3A_49 = arith.constant 0 : i32
    %parallel_loop3A_50 = arith.constant 512 : i32
    %parallel_loop3A_51 = arith.constant 16 : i32
    scf.for %parallel_loop3A_61 = %parallel_loop3A_49 to %parallel_loop3A_50 step %parallel_loop3A_51  : i32 {
      %parallel_loop3A_62 = arith.constant 6144 : i32
      %parallel_loop3A_63 = arith.addi %parallel_loop3A_62, %parallel_loop3A_61 : i32
      %parallel_loop3A_64 = arith.index_cast %parallel_loop3A_63 : i32 to index
      %parallel_loop3A_65 = tpu.vector_load %arg7[%parallel_loop3A_64] {strides = array<i32>} : memref<8192xf32, #tpu.memory_space<vmem>>, vector<16xf32>,
      %parallel_loop3A_66 = arith.constant 12 : i32
      %parallel_loop3A_67 = arith.index_cast %parallel_loop3A_66 : i32 to index
      %parallel_loop3A_68 = arith.index_cast %parallel_loop3A_61 : i32 to index
      %parallel_loop3A_69 = tpu.vector_load %arg8[%parallel_loop3A_67, %parallel_loop3A_68] {strides = array<i32>} : memref<16x512xf32, #tpu.memory_space<vmem>>, vector<16xf32>,
      tpu.vector_store %arg8[%parallel_loop3A_67, %parallel_loop3A_68], %parallel_loop3A_65 {strides = array<i32>} : memref<16x512xf32, #tpu.memory_space<vmem>>, vector<16xf32>,
    } {sc.loop_unroll_factor = 8 : i64, sc.parallel_access}
    %parallel_loop3A_52 = arith.constant 0 : i32
    %parallel_loop3A_53 = arith.constant 512 : i32
    %parallel_loop3A_54 = arith.constant 16 : i32
    scf.for %parallel_loop3A_61 = %parallel_loop3A_52 to %parallel_loop3A_53 step %parallel_loop3A_54  : i32 {
      %parallel_loop3A_62 = arith.constant 6656 : i32
      %parallel_loop3A_63 = arith.addi %parallel_loop3A_62, %parallel_loop3A_61 : i32
      %parallel_loop3A_64 = arith.index_cast %parallel_loop3A_63 : i32 to index
      %parallel_loop3A_65 = tpu.vector_load %arg7[%parallel_loop3A_64] {strides = array<i32>} : memref<8192xf32, #tpu.memory_space<vmem>>, vector<16xf32>,
      %parallel_loop3A_66 = arith.constant 13 : i32
      %parallel_loop3A_67 = arith.index_cast %parallel_loop3A_66 : i32 to index
      %parallel_loop3A_68 = arith.index_cast %parallel_loop3A_61 : i32 to index
      %parallel_loop3A_69 = tpu.vector_load %arg8[%parallel_loop3A_67, %parallel_loop3A_68] {strides = array<i32>} : memref<16x512xf32, #tpu.memory_space<vmem>>, vector<16xf32>,
      tpu.vector_store %arg8[%parallel_loop3A_67, %parallel_loop3A_68], %parallel_loop3A_65 {strides = array<i32>} : memref<16x512xf32, #tpu.memory_space<vmem>>, vector<16xf32>,
    } {sc.loop_unroll_factor = 8 : i64, sc.parallel_access}
    %parallel_loop3A_55 = arith.constant 0 : i32
    %parallel_loop3A_56 = arith.constant 512 : i32
    %parallel_loop3A_57 = arith.constant 16 : i32
    scf.for %parallel_loop3A_61 = %parallel_loop3A_55 to %parallel_loop3A_56 step %parallel_loop3A_57  : i32 {
      %parallel_loop3A_62 = arith.constant 7168 : i32
      %parallel_loop3A_63 = arith.addi %parallel_loop3A_62, %parallel_loop3A_61 : i32
      %parallel_loop3A_64 = arith.index_cast %parallel_loop3A_63 : i32 to index
      %parallel_loop3A_65 = tpu.vector_load %arg7[%parallel_loop3A_64] {strides = array<i32>} : memref<8192xf32, #tpu.memory_space<vmem>>, vector<16xf32>,
      %parallel_loop3A_66 = arith.constant 14 : i32
      %parallel_loop3A_67 = arith.index_cast %parallel_loop3A_66 : i32 to index
      %parallel_loop3A_68 = arith.index_cast %parallel_loop3A_61 : i32 to index
      %parallel_loop3A_69 = tpu.vector_load %arg8[%parallel_loop3A_67, %parallel_loop3A_68] {strides = array<i32>} : memref<16x512xf32, #tpu.memory_space<vmem>>, vector<16xf32>,
      tpu.vector_store %arg8[%parallel_loop3A_67, %parallel_loop3A_68], %parallel_loop3A_65 {strides = array<i32>} : memref<16x512xf32, #tpu.memory_space<vmem>>, vector<16xf32>,
    } {sc.loop_unroll_factor = 8 : i64, sc.parallel_access}
    %parallel_loop3A_58 = arith.constant 0 : i32
    %parallel_loop3A_59 = arith.constant 512 : i32
    %parallel_loop3A_60 = arith.constant 16 : i32
    scf.for %parallel_loop3A_61 = %parallel_loop3A_58 to %parallel_loop3A_59 step %parallel_loop3A_60  : i32 {
      %parallel_loop3A_62 = arith.constant 7680 : i32
      %parallel_loop3A_63 = arith.addi %parallel_loop3A_62, %parallel_loop3A_61 : i32
      %parallel_loop3A_64 = arith.index_cast %parallel_loop3A_63 : i32 to index
      %parallel_loop3A_65 = tpu.vector_load %arg7[%parallel_loop3A_64] {strides = array<i32>} : memref<8192xf32, #tpu.memory_space<vmem>>, vector<16xf32>,
      %parallel_loop3A_66 = arith.constant 15 : i32
      %parallel_loop3A_67 = arith.index_cast %parallel_loop3A_66 : i32 to index
      %parallel_loop3A_68 = arith.index_cast %parallel_loop3A_61 : i32 to index
      %parallel_loop3A_69 = tpu.vector_load %arg8[%parallel_loop3A_67, %parallel_loop3A_68] {strides = array<i32>} : memref<16x512xf32, #tpu.memory_space<vmem>>, vector<16xf32>,
      tpu.vector_store %arg8[%parallel_loop3A_67, %parallel_loop3A_68], %parallel_loop3A_65 {strides = array<i32>} : memref<16x512xf32, #tpu.memory_space<vmem>>, vector<16xf32>,
    } {sc.loop_unroll_factor = 8 : i64, sc.parallel_access}
    "tpu.region"() ({
      %run_scoped3A = tpu.sem_alloc : memref<!tpu.dma_semaphore, #tpu.memory_space<semaphore_mem>>
      %dma_start3A = arith.constant 0 : i32
      %dma_start3A_61 = tpu.memref_slice %arg4[%dma_start3A, %mul3A_2] : memref<16x16384xf32, #tpu.memory_space<hbm>> -> memref<16x512xf32, #tpu.memory_space<hbm>>
      %dma_start3A_62 = arith.constant 0 : i32
      %dma_start3A_63 = tpu.memref_slice %arg4[%dma_start3A_62, %mul3A_2] : memref<16x16384xf32, #tpu.memory_space<hbm>> -> memref<16x512xf32, #tpu.memory_space<hbm>>
      tpu.enqueue_dma source(%arg8 : memref<16x512xf32, #tpu.memory_space<vmem>>) target(%dma_start3A_63 : memref<16x512xf32, #tpu.memory_space<hbm>>) target_semaphore(%run_scoped3A : memref<!tpu.dma_semaphore, #tpu.memory_space<semaphore_mem>>)
      %dma_wait3A = arith.constant 0 : i32
      %dma_wait3A_64 = tpu.memref_slice %arg4[%dma_wait3A, %mul3A_2] : memref<16x16384xf32, #tpu.memory_space<hbm>> -> memref<16x512xf32, #tpu.memory_space<hbm>>
      %dma_wait3A_65 = arith.constant 0 : i32
      %dma_wait3A_66 = tpu.memref_slice %arg4[%dma_wait3A_65, %mul3A_2] : memref<16x16384xf32, #tpu.memory_space<hbm>> -> memref<16x512xf32, #tpu.memory_space<hbm>>
      tpu.wait_dma2 semaphore(%run_scoped3A : memref<!tpu.dma_semaphore, #tpu.memory_space<semaphore_mem>>) src(%arg8 : memref<16x512xf32, #tpu.memory_space<vmem>>) dst(%dma_wait3A_66 : memref<16x512xf32, #tpu.memory_space<hbm>>)
      tpu.yield
    }) : () -> ()
    return
  }
}

module attributes {stable_mosaic.version = 14 : i64} {
  func.func @mm(%arg0: i32, %arg1: memref<16x4096xf32, #tpu.memory_space<vmem>>, %arg2: memref<16x128xf32, #tpu.memory_space<vmem>>, %arg3: memref<4096x128xf32, #tpu.memory_space<vmem>>) attributes {dimension_semantics = [#tpu.dimension_semantics<arbitrary>], iteration_bounds = array<i64: 4>, scalar_prefetch = 0 : i64, scratch_operands = 0 : i64, tpu.core_type = #tpu.core_type<tc>, window_params = [{transform_indices = @transform_0, window_bounds = array<i64: 16, 4096>}, {pipeline_mode = #tpu.pipeline_mode<synchronous>, transform_indices = @transform_1, window_bounds = array<i64: 16, 128>}, {transform_indices = @transform_2, window_bounds = array<i64: 4096, 128>}]} {
    %get3A = arith.constant 0 : index
    %get3A_0 = arith.constant 0 : index
    %get3A_1 = vector.load %arg1[%get3A, %get3A_0] : memref<16x4096xf32, #tpu.memory_space<vmem>>, vector<16x4096xf32>
    %get3A_2 = arith.constant 0 : index
    %get3A_3 = arith.constant 0 : index
    %get3A_4 = vector.load %arg2[%get3A_2, %get3A_3] : memref<16x128xf32, #tpu.memory_space<vmem>>, vector<16x128xf32>
    %dot_general3A = arith.constant dense<0.000000e+00> : vector<4096x128xf32>
    %dot_general3A_5 = tpu.matmul %get3A_1, %get3A_4, %dot_general3A {dimension_numbers = #tpu.dot_dimension_numbers<[0], [0], [1], [1], [0, 1, 1, 1], [], []>, transpose_lhs_hint = false} : vector<16x4096xf32>, vector<16x128xf32>, vector<4096x128xf32> -> vector<4096x128xf32>
    %swap3A = arith.constant 0 : index
    %swap3A_6 = arith.constant 0 : index
    %swap3A_7 = vector.load %arg3[%swap3A, %swap3A_6] : memref<4096x128xf32, #tpu.memory_space<vmem>>, vector<4096x128xf32>
    tpu.vector_store %arg3[%swap3A, %swap3A_6], %dot_general3A_5 {strides = array<i32>} : memref<4096x128xf32, #tpu.memory_space<vmem>>, vector<4096x128xf32>,
    return
  }
  func.func @transform_0(%arg0: i32) -> (i32, i32) {
    %c0_i32 = arith.constant 0 : i32
    %c0_i32_0 = arith.constant 0 : i32
    return %c0_i32, %arg0 : i32, i32
  }
  func.func @transform_1(%arg0: i32) -> (i32, i32) {
    %c0_i32 = arith.constant 0 : i32
    %c0_i32_0 = arith.constant 0 : i32
    %c0_i32_1 = arith.constant 0 : i32
    return %c0_i32, %c0_i32_0 : i32, i32
  }
  func.func @transform_2(%arg0: i32) -> (i32, i32) {
    %c0_i32 = arith.constant 0 : i32
    %c0_i32_0 = arith.constant 0 : i32
    return %arg0, %c0_i32 : i32, i32
  }
}

</mosaic_0001>

<sc_bundles>
// kernel: kernel.4.cloned.1.call-start
scs
__scs_entry_jumppad:
0x0: {  	(pc) =	sbr.rel $0x88, $3  }
0x1: {  	(tag) =	ssettag $0x0;
	lr =	simm.s32 $0x1  }
0x2: {  	[smem:$0x3F9E] =	sst lr;
	_ =	strace $0xD0000000  }
0x3: {  	_ = 	snop  }
0x4: {  	_ = 	snop  }
0x5: {  	_ = 	snop  }
0x6: {  	_ = 	snop  }
0x7: {  	_ = 	snop  }
__scs_overlays_trampoline_lowered:
0x8: {  	[smem:$0x3FAD] =	sst s0  }
0x9: {  	[smem:$0x3FAE] =	sst s1  }
0xa: {  	[smem:$0x3FAF] =	sst s2  }
0xb: {  	[smem:$0x3FB0] =	sst s3  }
0xc: {  	[smem:$0x3FB1] =	sst s4  }
0xd: {  	[smem:$0x3FB2] =	sst s5  }
0xe: {  	[smem:$0x3FB3] =	sst s6  }
0xf: {  	[smem:$0x3FB4] =	sst s7  }
0x10: {  	[smem:$0x3FB5] =	sst s8  }
0x11: {  	[smem:$0x3FB6] =	sst s9;
	s0 =	simm.s32 @!p0 $0x0  }
0x12: {  	s1 =	sld [smem:$0x3F9C];
	s0 =	simm.s32 @p0 $0x1  }
0x13: {  	[smem:$0x3FB7] =	sst s0;
	s0 =	simm.s32 @!p1 $0x0  }
0x14: {  	s2 =	sld [smem:$0x3F9B];
	s0 =	simm.s32 @p1 $0x1  }
0x15: {  	[smem:$0x3FB8] =	sst s0;
	s0 =	simm.s32 @!p2 $0x0  }
0x16: {  	s3 =	sld [smem:$0x3FDB];
	s0 =	simm.s32 @p2 $0x1  }
0x17: {  	s4 =	simm.s32 $0x1BF5;
	[smem:$0x3FBA] =	sst s0  }
0x18: {  	s0 =	sld [smem:$0x3F9D];
	_ =	swait.ge [sflag:s4], $0x0  }
0x19: {  	s7 =	sld [smem:$0x3F9E]  }
0x1a: {  	s8 =	sadd.s32 $0xFFFFE003, lr  }
0x1b: {  	s9 =	sadd.s32 $0xFFFFFEF7, lr;
	s5 =	simm.s32 $0xFFFFFFFF;
	p2 =	slt.u32 s8, $0xFFFFF086  }
0x1c: {  	p1 =	slt.u32 s9, $0xF7A;
	s5 =	simm.s32 @!p2 $0x0  }
0x1d: {  	s5 =	simm.s32 @p1 $0x1;
	p0 =	seq.s32 s7, s2  }
0x1e: {  	s7 =	smul.u32 @!p0 $0xF7A, s2;
	p2 =	seq.s32 @!p0 s5, $0x0  }
0x1f: {  	s9 =	smul.u32 $0xF7A, s1;
	s8 =	simm.s32 @!p0 $0x1BF5;
	p2 =	por !p2, p0  }
0x20: {  	[sflag:s8] =	ssyncset.s32 @!p0 $0xFFFFF086;
	s6 =	sadd.s32 @!p0 s3, s7;
	s7 =	simm.s32 @!p0 $0x108  }
0x21: {  	s3 =	sadd.s32 s3, s9;
	s6 =	sadd.s32 @!p0 $0x88, s6;
	s7 =	simm.s32 @p2 $0x1082  }
0x22: {  	[simem:s7], [sflag:s8] =	dma.local @!p0 [hbm:s6], $0xF7A  }
0x23: {  	s9 =	sor.u32 $0xD0000000, s2;
	s6 =	simm.s32 $0x108;
	_ =	swait.ge @!p0 [sflag:s8], $0x0  }
0x24: {  	s3 =	sadd.s32 $0x88, s3;
	s6 =	simm.s32 @!p1 $0x1082;
	[sflag:s4] =	ssyncset.s32 $0xFFFFF086  }
0x25: {  	[simem:s6], [sflag:s4] =	dma.local [hbm:s3], $0xF7A  }
0x26: {  	[smem:$0x3F9E] =	sst s1;
	(tag) =	ssettag s2;
	_ =	strace s9  }
0x27: {  	s1 =	sld [smem:$0x3FAE]  }
0x28: {  	s2 =	sld [smem:$0x3FAF]  }
0x29: {  	s4 =	sld [smem:$0x3FB1]  }
0x2a: {  	p0 =	seq.s32 s5, $0x0;
	s5 =	sld [smem:$0x3FB2]  }
0x2b: {  	s6 =	sld [smem:$0x3FB3]  }
0x2c: {  	s7 =	sld [smem:$0x3FB4]  }
0x2d: {  	s3 =	simm.s32 $0x108;
	s8 =	sld [smem:$0x3FB5]  }
0x2e: {  	s3 =	simm.s32 @!p0 $0x1082;
	s9 =	sld [smem:$0x3FB6]  }
0x2f: {  	lr =	sadd.s32 s0, s3;
	s0 =	sld [smem:$0x3FAD]  }
0x30: {  	s3 =	sld [smem:$0x3FB0]  }
0x31: {  	[smem:$0x3FB9] =	sst s10  }
0x32: {  	s10 =	sld [smem:$0x3FB7];
	_ =	sdelay $0x3  }
0x33: {  	p0 =	seq.s32 s10, $0x1;
	s10 =	sld [smem:$0x3FB9];
	_ =	sdelay $0x3  }
0x34: {  	[smem:$0x3FB9] =	sst s10  }
0x35: {  	s10 =	sld [smem:$0x3FB8];
	_ =	sdelay $0x3  }
0x36: {  	p1 =	seq.s32 s10, $0x1;
	s10 =	sld [smem:$0x3FB9];
	_ =	sdelay $0x3  }
0x37: {  	[smem:$0x3FB9] =	sst s10  }
0x38: {  	s10 =	sld [smem:$0x3FBA]  }
0x39: {  	_ = 	snop;
	(pc) =	sbr.ind lr, $3  }
0x3a: {  	_ = 	snop  }
0x3b: {  	_ = 	snop  }
0x3c: {  	p2 =	seq.s32 s10, $0x1;
	s10 =	sld [smem:$0x3FB9]  }
0x3d: {  	_ =	shalt  }
0x3e: {  	_ =	shalt  }
0x3f: {  	_ =	shalt  }
0x40: {  	_ =	shalt  }
0x41: {  	_ =	shalt  }
0x42: {  	_ =	shalt  }
0x43: {  	_ =	shalt  }
0x44: {  	_ =	shalt  }
0x45: {  	_ =	shalt  }
0x46: {  	_ =	shalt  }
0x47: {  	_ =	shalt  }
0x48: {  	_ =	shalt  }
0x49: {  	_ =	shalt  }
0x4a: {  	_ =	shalt  }
0x4b: {  	_ =	shalt  }
0x4c: {  	_ =	shalt  }
0x4d: {  	_ =	shalt  }
0x4e: {  	_ =	shalt  }
0x4f: {  	_ =	shalt  }
0x50: {  	_ =	shalt  }
0x51: {  	_ =	shalt  }
0x52: {  	_ =	shalt  }
0x53: {  	_ =	shalt  }
0x54: {  	_ =	shalt  }
0x55: {  	_ =	shalt  }
0x56: {  	_ =	shalt  }
0x57: {  	_ =	shalt  }
0x58: {  	_ =	shalt  }
0x59: {  	_ =	shalt  }
0x5a: {  	_ =	shalt  }
0x5b: {  	_ =	shalt  }
0x5c: {  	_ =	shalt  }
0x5d: {  	_ =	shalt  }
0x5e: {  	_ =	shalt  }
0x5f: {  	_ =	shalt  }
0x60: {  	_ =	shalt  }
0x61: {  	_ =	shalt  }
0x62: {  	_ =	shalt  }
0x63: {  	_ =	shalt  }
0x64: {  	_ =	shalt  }
0x65: {  	_ =	shalt  }
0x66: {  	_ =	shalt  }
0x67: {  	_ =	shalt  }
0x68: {  	_ =	shalt  }
0x69: {  	_ =	shalt  }
0x6a: {  	_ =	shalt  }
0x6b: {  	_ =	shalt  }
0x6c: {  	_ =	shalt  }
0x6d: {  	_ =	shalt  }
0x6e: {  	_ =	shalt  }
0x6f: {  	_ =	shalt  }
0x70: {  	_ =	shalt  }
0x71: {  	_ =	shalt  }
0x72: {  	_ =	shalt  }
0x73: {  	_ =	shalt  }
0x74: {  	_ =	shalt  }
0x75: {  	_ =	shalt  }
0x76: {  	_ =	shalt  }
0x77: {  	_ =	shalt  }
0x78: {  	_ =	shalt  }
0x79: {  	_ =	shalt  }
0x7a: {  	_ =	shalt  }
0x7b: {  	_ =	shalt  }
0x7c: {  	_ =	shalt  }
0x7d: {  	_ =	shalt  }
0x7e: {  	_ =	shalt  }
0x7f: {  	_ =	shalt  }
0x80: {  	_ =	shalt  }
0x81: {  	_ =	shalt  }
0x82: {  	_ =	shalt  }
0x83: {  	_ =	shalt  }
0x84: {  	_ =	shalt  }
0x85: {  	_ =	shalt  }
0x86: {  	_ =	shalt  }
0x87: {  	_ =	shalt  }
.Lfunc_end0:
.L_simem_size_0:
called_computation_lowered:
.L_overlay_start_0:
0x88: {  	s2 =	sld [smem:$0x3FD9]  }
0x89: {  	s3 =	sld [smem:$0x3FFE];
	_ =	sdelay $0x1  }
0x8a: {  	s1 =	srdreg.scid  }
0x8b: {  	s0 =	sand.u32 $0x1, s1  }
0x8c: {  	s18 =	sshll.u32 s0, $0xA;
	s2 =	sadd.s32 s3, s2  }
0x8d: {  	s2 =	sadd.s32 s2, s18  }
0x8e: {  	[smem:$0x3FC5] =	sst s2  }
0x8f: {  	_ = 	snop  }
0x90: {  	s2 =	sld [smem:$0x3FC9]  }
0x91: {  	s19 =	sld [smem:$0x3FC8]  }
0x92: {  	s4 =	sld [smem:$0x3FD0];
	(tm) =	ssettm $0x1  }
0x93: {  	s5 =	sld [smem:$0x3FFB];
	_ =	sdelay $0x3  }
0x94: {  	_ =	strace s5  }
0x95: {  	s5 =	sld [smem:$0x3FFC];
	_ =	sdelay $0x3  }
0x96: {  	_ =	strace s5  }
0x97: {  	s5 =	sld [smem:$0x3FFD];
	_ =	sdelay $0x3  }
0x98: {  	_ =	strace s5  }
0x99: {  	_ =	strace $0x8FFFFFFF  }
0x9a: {  	s20 =	sld [smem:$0x3FDB];
	_ =	sdelay $0x1  }
0x9b: {  	s6 =	simm.s32 $_scs_section_size  }
0x9c: {  	s7 =	simm.s32 $_size__tile_overlayer_lowered;
	s8 =	simm.s32 $_tile_overlayer_lowered  }
0x9d: {  	s23 =	simm.s32 $0x1BFF;
	s22 =	sshll.u32 s8, $0x1;
	s5 =	sadd.s32 s6, s20  }
0x9e: {  	s9 =	simm.s32 $0x0;
	s21 =	sshll.u32 s7, $0x1;
	s7 =	sadd.s32 s22, s5  }
0x9f: {  	[timem:s9], [sflag:s23] =	dma.local [hbm:s7], s21  }
0xa0: {  	_ =	swait.ge [sflag:s23], s21  }
0xa1: {  	s6 =	ssub.s32 $0x0, s21;
	[sflag:s23] =	ssyncset.done $0x0  }
0xa2: {  	[sflag:s23] =	ssyncadd.s32 s6;
	_ =	sdelay $0x1  }
0xa3: {  	s24 =	simm.s32 $0x1B8B  }
0xa4: {  	_ =	swait.ge [sflag:s24], $0x1  }
0xa5: {  	[sflag:s24] =	ssyncset.done $0x0  }
0xa6: {  	s25 =	simm.s32 $0x1B8E;
	[sflag:s24] =	ssyncadd.s32 $0xFFFFFFFF  }
0xa7: {  	s26 =	simm.s32 $execute0_lowered;
	[smem:$0x3FD2] =	sst s25  }
0xa8: {  	s6 =	sshll.u32 s26, $0x1;
	_ =	strace $0x80000046;
	[dreg:$0x1] =	wrdreg $0xFFFFFFFF  }
0xa9: {  	s28 =	simm.s32 $_size_execute0_lowered;
	s5 =	sadd.s32 s5, s6;
	[dreg:$0x0] =	wrdreg $0x0  }
0xaa: {  	s6 =	sshll.u32 s28, $0x1;
	[dreg:$0x2] =	wrdreg s5  }
0xab: {  	[dreg:$0x3] =	wrdreg s6  }
0xac: {  	[dreg:$0x4] =	wrdreg $0xC0  }
0xad: {  	_ =	task [dreg:s9], $0x5FFFF  }
0xae: {  	[dreg:$0x1] =	wrdreg $0xFFFFFFFF  }
0xaf: {  	[dreg:$0x0] =	wrdreg $0x60  }
0xb0: {  	[dreg:$0x2] =	wrdreg s2  }
0xb1: {  	[dreg:$0x3] =	wrdreg s19  }
0xb2: {  	[dreg:$0x4] =	wrdreg s4  }
0xb3: {  	[dreg:$0x5] =	wrdreg $0x9  }
0xb4: {  	_ =	task.clear_ibuf [dreg:s9], $0x6FFFF;
	_ =	strace $0x90000046  }
0xb5: {  	s29 =	simm.s32 $0x9;
	_ =	strace $0x80000048  }
0xb6: {  	_ =	swait.ge [sflag:s29], $0x1  }
0xb7: {  	[sflag:s29] =	ssyncadd.s32 $0xFFFFFFFF  }
0xb8: {  	_ =	strace $0x90000048  }
0xb9: {  	_ =	sfence  }
0xba: {  	s30 =	sld [smem:$0x0];
	_ =	sdelay $0x2  }
0xbb: {  	s31 =	sshll.u32 s1, $0xD;
	s1 =	sshrl.u32 s1, $0x2  }
0xbc: {  	s3 =	sand.u32 $0x4000, s31;
	s1 =	sadd.s32 s1, s30  }
0xbd: {  	s0 =	sor.u32 s3, s0;
	s1 =	sshll.u32 s1, $0x11  }
0xbe: {  	s0 =	sor.u32 s1, s0  }
0xbf: {  	s0 =	sadd.s32 $0x8F2B, s0  }
0xc0: {  	[sflag:s0] =	ssyncadd.remote.s32 $0x1  }
0xc1: {  	_ =	sfence.sel $0xFFFF  }
0xc2: {  	[dreg:$0x0] =	wrdreg $0xFFFFFFFF;
	(pc) =	sbr.abs _section_cstart, $3  }
0xc3: {  	[dreg:$0x1] =	wrdreg $0xFFFFFFFF  }
0xc4: {  	_ =	task.clear_ibuf [dreg:s9], $0x2FFFF;
	_ =	strace $0x9FFFFFFF  }
0xc5: {  	(tm) =	ssettm $0x7FFFFFFF  }
tec
execute0_lowered:
.L_overlay_start_1:
0x0: {  	(tag) =	ssettag $0x1  }
0x1: {  	s3 =	rddreg [dreg:$0x0]  }
0x2: {  	s4 =	rddreg [dreg:$0x1]  }
0x3: {  	s5 =	rddreg [dreg:$0x2];
	s2 =	srdreg.scid  }
0x4: {  	s0 =	rddreg [dreg:$0x3];
	s1 =	stileid.u32;
	s10 =	simm.s32 $0x19000  }
0x5: {  	s11 =	simm.s32 $0x19200;
	s12 =	simm.s32 $0x1B200;
	s13 =	simm.s32 $0x0  }
0x6: {  	s6 =	sand.u32 $0x1, s2;
	s2 =	simm.s32 $0x0;
	s7 =	sshll.u32 s1, $0xA  }
0x7: {  	s8 =	sshll.u32 s6, $0x9;
	[smem:$0x7FF] =	sst s2;
	s6 =	ssub.s32 $0x2, s6  }
0x8: {  	s7 =	sor.u32 s8, s7;
	_ =	strace $0x80000047;
	s31 =	sshrl.u32 s6, $0x1  }
0x9: {  	s8 =	simm.s32 $0x20000;
	s9 =	sshrl.u32 s7, $0x3;
	s6 =	ssub.s32 s6, s31  }
0xa: {  	s3 =	sadd.s32 s3, s7;
	s5 =	sadd.s32 s5, s7;
	s7 =	simm.s32 $0x1000  }
0xb: {  	v0 =	vimm.f32 $0.0e+00;
	v1 =	vlaneseq.u32;
	v2 =	vimm.f32 $1.000000000e+00;
	s4 =	sadd.s32 s4, s9;
	s6 =	smax.u32 s6, $0x1;
	s9 =	simm.s32 $0x1  }
.LBB2_1:
0xc: {  	[tilespmem:s2], [sflag:$0x1] =	stream.strided.gather [hbm4b:s3+s7], $0x19000, s8, s7, $0x38;
	[tilespmem:$0x1D200] =	vst v63  }
0xd: {  	_ =	swait.ge [sflag:s9], $0x19000  }
0xe: {  	[sflag:s9] =	ssyncset.done $0x0  }
0xf: {  	[sflag:s9] =	ssyncadd.s32 $0xFFFE7000  }
0x10: {  	[tilespmem:s10], [sflag:$0x1] =	stream.linear.gather [hbm4b:s4+s2], $0x200, $0x38;
	[tilespmem:$0x1D200] =	vst v63  }
0x11: {  	_ =	swait.ge [sflag:s9], $0x200  }
0x12: {  	[sflag:s9] =	ssyncset.done $0x0  }
0x13: {  	s14 =	simm.s32 $0x19240;
	[sflag:s9] =	ssyncadd.s32 $0xFFFFFE00  }
0x14: {  	[tilespmem:s14+$0xFFFFFFC0] =	vst v0  }
0x15: {  	[tilespmem:s14+$0x30] =	vst v0  }
0x16: {  	[tilespmem:s14+$0x20] =	vst v0  }
0x17: {  	[tilespmem:s14+$0x10] =	vst v0  }
0x18: {  	[tilespmem:s14+$0x0] =	vst v0  }
0x19: {  	[tilespmem:s14+$0xFFFFFFF0] =	vst v0  }
0x1a: {  	s15 =	simm.s32 $0x0;
	[tilespmem:s14+$0xFFFFFFE0] =	vst v0  }
.LBB2_2:
0x1b: {  	s15 =	sadd.s32 $0x80, s15;
	[tilespmem:s14+$0xFFFFFFD0] =	vst v0;
	s14 =	sadd.s32 $0x80, s14  }
0x1c: {  	[tilespmem:s14+$0xFFFFFFC0] =	vst v0;
	p0 =	slt.u32 s15, $0x1F80  }
0x1d: {  	[tilespmem:s14+$0x30] =	vst v0  }
.Ltmp0:
0x1e: {  	[tilespmem:s14+$0x20] =	vst v0;
	(pc) =	sbr.rel @p0 .LBB2_2-.Ltmp0, $4  }
0x1f: {  	[tilespmem:s14+$0x10] =	vst v0  }
0x20: {  	[tilespmem:s14+$0x0] =	vst v0  }
0x21: {  	[tilespmem:s14+$0xFFFFFFF0] =	vst v0  }
0x22: {  	[tilespmem:s14+$0xFFFFFFE0] =	vst v0  }
0x23: {  	[tilespmem:s14+$0xFFFFFFD0] =	vst v0;
	s14 =	simm.s32 $0x0;
	s15 =	simm.s32 $0x0;
	s16 =	simm.s32 $0x0  }
.LBB2_4:
0x24: {  	s17 =	sshll.u32 s15, $0x2;
	s18 =	sand.u32 $0x7, s14  }
0x25: {  	s17 =	sand.u32 $0xFFFFF000, s17;
	s18 =	sshll.u32 s18, $0x6  }
0x26: {  	s17 =	sor.u32 s18, s17  }
0x27: {  	s28 =	sshll.u32 s16, $0x4;
	s17 =	sshrl.u32 s17, $0x2  }
0x28: {  	v3 =	vld [tilespmem:s28+$0x19000];
	s17 =	sor.u32 $0x200, s17  }
0x29: {  	v5 =	vld [tilespmem:s17+$0x180]  }
0x2a: {  	v6 =	vld [tilespmem:s17+$0xFFFFFE80]  }
0x2b: {  	s19 =	simm.s32 $0x1;
	v7 =	vld [tilespmem:s17+$0xFFFFFF00]  }
0x2c: {  	s29 =	simm.s32 $0x2;
	s30 =	simm.s32 $0x3;
	s20 =	simm.s32 $0x7;
	v4 =	vor.u32 s28, v1;
	v8 =	vmov s19;
	v9 =	vld [tilespmem:s17+$0xFFFFFF80]  }
0x2d: {  	s31 =	simm.s32 $0x4;
	v10 =	vmov s29;
	v11 =	vmov s30;
	v13 =	vmov s20;
	v12 =	vld [tilespmem:s17+$0x0]  }
0x2e: {  	v14 =	vmov s31;
	vm0 =	vlt.s32 v13, v3;
	v5 =	vshll.u32 v5, $0x9  }
0x2f: {  	vm1 =	vlt.s32 v8, v3;
	v6 =	vshll.u32 v6, $0x9;
	v5 =	vadd.s32 v4, v5  }
0x30: {  	vm2 =	vlt.s32 v10, v3;
	v7 =	vshll.u32 v7, $0x9;
	v6 =	vadd.s32 v4, v6  }
0x31: {  	v63 =	vld [tilespmem:s17+$0xFFFFFE00];
	vm3 =	vlt.s32 v11, v3;
	v9 =	vshll.u32 v9, $0x9;
	v7 =	vadd.s32 v4, v7  }
0x32: {  	v8 =	vld [tilespmem:s17+$0x80];
	vm4 =	vlt.s32 v14, v3;
	v11 =	vshll.u32 v12, $0x9;
	v9 =	vadd.s32 v4, v9  }
0x33: {  	v10 =	vld [tilespmem:s17+$0x100];
	v11 =	vadd.s32 v4, v11  }
0x34: {  	[tilespmem:v5+s11+$0x0] =	vst.idx.add.f32.msk vm0, v2  }
0x35: {  	[tilespmem:v6+s11+$0x0] =	vst.idx.add.f32.msk vm1, v2  }
0x36: {  	[tilespmem:v7+s11+$0x0] =	vst.idx.add.f32.msk vm2, v2  }
0x37: {  	[tilespmem:v9+s11+$0x0] =	vst.idx.add.f32.msk vm3, v2  }
0x38: {  	s18 =	sadd.s32 $0x1000, s17;
	v5 =	vshll.u32 v8, $0x9;
	v7 =	vshll.u32 v10, $0x9;
	v8 =	vshll.u32 v63, $0x9;
	[tilespmem:v11+s11+$0x0] =	vst.idx.add.f32.msk vm4, v2  }
0x39: {  	s20 =	simm.s32 $0x10;
	s19 =	simm.s32 $0x0;
	s17 =	simm.s32 $0x8;
	v6 =	vadd.s32 v4, v5;
	v5 =	vadd.s32 v4, v7;
	v7 =	vadd.s32 v4, v8;
	v8 =	vld [tilespmem:s18+$0x180]  }
.LBB2_5:
0x3a: {  	p0 =	slt.u32 s20, $0xC0;
	v9 =	vld [tilespmem:s18+$0xFFFFFE80];
	s21 =	sadd.s32 $0x1, s17;
	v10 =	vmov s19;
	s22 =	sadd.s32 $0x5, s19  }
0x3b: {  	v11 =	vmov s21;
	v12 =	vld [tilespmem:s18+$0xFFFFFF00];
	s21 =	sadd.s32 $0x2, s17;
	vm0 =	vlt.s32 v10, v3;
	v10 =	vmov s22;
	s22 =	sadd.s32 $0x6, s19;
	s19 =	smov.u32 s17  }
0x3c: {  	s17 =	smov.u32 s20;
	v13 =	vmov s21;
	v14 =	vld [tilespmem:s18+$0xFFFFFF80];
	s21 =	sadd.s32 $0x3, s19;
	s23 =	sadd.s32 $0x7, s19;
	vm1 =	vlt.s32 v10, v3;
	v10 =	vmov s22  }
0x3d: {  	v15 =	vmov s21;
	v16 =	vld [tilespmem:s18+$0x0];
	s21 =	sadd.s32 $0x4, s19;
	v17 =	vmov s23;
	vm2 =	vlt.s32 v10, v3  }
0x3e: {  	v10 =	vmov s21;
	v18 =	vld [tilespmem:s18+$0x80];
	vm3 =	vlt.s32 v17, v3;
	v8 =	vshll.u32 v8, $0x9  }
0x3f: {  	vm4 =	vlt.s32 v11, v3;
	v9 =	vshll.u32 v9, $0x9;
	v11 =	vld [tilespmem:s18+$0x100];
	v8 =	vadd.s32 v4, v8  }
0x40: {  	vm5 =	vlt.s32 v13, v3;
	v17 =	vld [tilespmem:s18+$0xFFFFFE00];
	v9 =	vadd.s32 v4, v9;
	v12 =	vshll.u32 v12, $0x9  }
0x41: {  	vm6 =	vlt.s32 v15, v3;
	v12 =	vadd.s32 v4, v12;
	v13 =	vshll.u32 v14, $0x9;
	[tilespmem:v7+s11+$0x0] =	vst.idx.add.f32.msk vm0, v2  }
0x42: {  	vm0 =	vlt.s32 v10, v3;
	v13 =	vadd.s32 v4, v13;
	v7 =	vshll.u32 v16, $0x9;
	[tilespmem:v6+s11+$0x0] =	vst.idx.add.f32.msk vm1, v2  }
0x43: {  	v10 =	vadd.s32 v4, v7;
	v6 =	vshll.u32 v18, $0x9;
	[tilespmem:v5+s11+$0x0] =	vst.idx.add.f32.msk vm2, v2  }
0x44: {  	v6 =	vadd.s32 v4, v6;
	v5 =	vshll.u32 v11, $0x9;
	[tilespmem:v8+s11+$0x0] =	vst.idx.add.f32.msk vm3, v2  }
.Ltmp1:
0x45: {  	v7 =	vshll.u32 v17, $0x9;
	[tilespmem:v9+s11+$0x0] =	vst.idx.add.f32.msk vm4, v2;
	v5 =	vadd.s32 v4, v5;
	(pc) =	sbr.rel @p0 .LBB2_5-.Ltmp1, $4  }
0x46: {  	v7 =	vadd.s32 v4, v7;
	[tilespmem:v12+s11+$0x0] =	vst.idx.add.f32.msk vm5, v2  }
0x47: {  	[tilespmem:v13+s11+$0x0] =	vst.idx.add.f32.msk vm6, v2  }
0x48: {  	s18 =	sadd.s32 $0x1000, s18;
	[tilespmem:v10+s11+$0x0] =	vst.idx.add.f32.msk vm0, v2  }
0x49: {  	s20 =	sadd.s32 $0x8, s20;
	v8 =	vld [tilespmem:s18+$0x180]  }
0x4a: {  	s20 =	sadd.s32 $0x1, s17;
	v10 =	vmov s19  }
0x4b: {  	v9 =	vld [tilespmem:s18+$0xFFFFFE80];
	s21 =	sadd.s32 $0x5, s19;
	s24 =	sadd.s32 $0x2, s17;
	s25 =	sadd.s32 $0x6, s19;
	v59 =	vmov s17;
	v11 =	vmov s20;
	vm0 =	vlt.s32 v10, v3  }
0x4c: {  	v12 =	vld [tilespmem:s18+$0xFFFFFF00];
	s26 =	sadd.s32 $0x3, s17;
	s28 =	sadd.s32 $0x7, s17;
	v50 =	vmov s21;
	v13 =	vmov s24;
	v51 =	vmov s25  }
0x4d: {  	v14 =	vld [tilespmem:s18+$0xFFFFFF80];
	s29 =	sadd.s32 $0x4, s17;
	s30 =	sadd.s32 $0x5, s17;
	v15 =	vmov s26;
	v17 =	vmov s28;
	vm1 =	vlt.s32 v50, v3  }
0x4e: {  	v16 =	vld [tilespmem:s18+$0x0];
	s31 =	sadd.s32 $0x6, s17;
	v52 =	vmov s29;
	v61 =	vmov s30;
	vm2 =	vlt.s32 v51, v3  }
0x4f: {  	v18 =	vld [tilespmem:s18+$0x80];
	v62 =	vmov s31;
	vm3 =	vlt.s32 v17, v3;
	v8 =	vshll.u32 v8, $0x9  }
0x50: {  	v54 =	vld [tilespmem:s18+$0x100];
	vm4 =	vlt.s32 v11, v3;
	v9 =	vshll.u32 v9, $0x9;
	v8 =	vadd.s32 v4, v8  }
0x51: {  	v53 =	vld [tilespmem:s18+$0xFFFFFE00];
	vm5 =	vlt.s32 v13, v3;
	v12 =	vshll.u32 v12, $0x9;
	v9 =	vadd.s32 v4, v9  }
0x52: {  	vm6 =	vlt.s32 v15, v3;
	v14 =	vshll.u32 v14, $0x9;
	v12 =	vadd.s32 v4, v12;
	[tilespmem:v7+s11+$0x0] =	vst.idx.add.f32.msk vm0, v2  }
0x53: {  	vm12 =	vlt.s32 v52, v3;
	v56 =	vshll.u32 v16, $0x9;
	v55 =	vadd.s32 v4, v14;
	[tilespmem:v6+s11+$0x0] =	vst.idx.add.f32.msk vm1, v2  }
0x54: {  	vm14 =	vlt.s32 v61, v3;
	v58 =	vshll.u32 v18, $0x9;
	v57 =	vadd.s32 v4, v56;
	[tilespmem:v5+s11+$0x0] =	vst.idx.add.f32.msk vm2, v2  }
0x55: {  	vm15 =	vlt.s32 v62, v3;
	v63 =	vshll.u32 v54, $0x9;
	v10 =	vadd.s32 v4, v58;
	[tilespmem:v8+s11+$0x0] =	vst.idx.add.f32.msk vm3, v2  }
0x56: {  	s16 =	sadd.s32 $0x1, s16;
	vm13 =	vlt.s32 v59, v3;
	v60 =	vshll.u32 v53, $0x9;
	v3 =	vadd.s32 v4, v63;
	[tilespmem:v9+s11+$0x0] =	vst.idx.add.f32.msk vm4, v2  }
0x57: {  	p0 =	sne.s32 s16, $0x20;
	v5 =	vadd.s32 v4, v60;
	[tilespmem:v12+s11+$0x0] =	vst.idx.add.f32.msk vm5, v2  }
.Ltmp2:
0x58: {  	[tilespmem:v55+s11+$0x0] =	vst.idx.add.f32.msk vm6, v2;
	(pc) =	sbr.rel @p0 .LBB2_4-.Ltmp2, $4  }
0x59: {  	[tilespmem:v57+s11+$0x0] =	vst.idx.add.f32.msk vm12, v2  }
0x5a: {  	[tilespmem:v10+s11+$0x0] =	vst.idx.add.f32.msk vm14, v2  }
0x5b: {  	[tilespmem:v3+s11+$0x0] =	vst.idx.add.f32.msk vm15, v2  }
0x5c: {  	s15 =	sadd.s32 $0x80, s15;
	s14 =	sadd.s32 $0x1, s14;
	[tilespmem:v5+s11+$0x0] =	vst.idx.add.f32.msk vm13, v2  }
0x5d: {  	s18 =	simm.s32 $0x19240  }
0x5e: {  	v6 =	vld [tilespmem:s18+$0x30]  }
0x5f: {  	v7 =	vld [tilespmem:s18+$0xFFFFFFD0]  }
0x60: {  	v8 =	vld [tilespmem:s18+$0xFFFFFFE0]  }
0x61: {  	v3 =	vld [tilespmem:s18+$0xFFFFFFF0]  }
0x62: {  	s15 =	simm.s32 $0x1B240;
	v4 =	vld [tilespmem:s18+$0x0]  }
0x63: {  	v5 =	vld [tilespmem:s18+$0x10];
	[tilespmem:s15+$0x30] =	vst v6  }
0x64: {  	s17 =	simm.s32 $0x0;
	[tilespmem:s15+$0xFFFFFFD0] =	vst v7;
	v6 =	vld [tilespmem:s18+$0x20]  }
0x65: {  	s16 =	simm.s32 $0x19470;
	s14 =	simm.s32 $0x1B2F0;
	v7 =	vld [tilespmem:s18+$0xFFFFFFC0];
	[tilespmem:s15+$0xFFFFFFE0] =	vst v8;
	s18 =	simm.s32 $0x192C0  }
.LBB2_8:
0x66: {  	v8 =	vld [tilespmem:s18+$0x30];
	s17 =	sadd.s32 $0x80, s17;
	[tilespmem:s15+$0xFFFFFFF0] =	vst v3  }
0x67: {  	v9 =	vld [tilespmem:s18+$0xFFFFFFD0];
	p0 =	slt.u32 s17, $0x180;
	[tilespmem:s15+$0x0] =	vst v4  }
0x68: {  	v10 =	vld [tilespmem:s18+$0xFFFFFFE0];
	[tilespmem:s15+$0x10] =	vst v5  }
.Ltmp3:
0x69: {  	v3 =	vld [tilespmem:s18+$0xFFFFFFF0];
	[tilespmem:s15+$0x20] =	vst v6;
	(pc) =	sbr.rel @p0 .LBB2_8-.Ltmp3, $4  }
0x6a: {  	v4 =	vld [tilespmem:s18+$0x0];
	[tilespmem:s15+$0xFFFFFFC0] =	vst v7;
	s15 =	sadd.s32 $0x400, s15  }
0x6b: {  	v5 =	vld [tilespmem:s18+$0x10];
	[tilespmem:s15+$0x30] =	vst v8  }
0x6c: {  	[tilespmem:s15+$0xFFFFFFD0] =	vst v9;
	v6 =	vld [tilespmem:s18+$0x20]  }
0x6d: {  	v7 =	vld [tilespmem:s18+$0xFFFFFFC0];
	[tilespmem:s15+$0xFFFFFFE0] =	vst v10;
	s18 =	sadd.s32 $0x80, s18  }
0x6e: {  	[tilespmem:s15+$0xFFFFFFF0] =	vst v3  }
0x6f: {  	[tilespmem:s15+$0x0] =	vst v4  }
0x70: {  	[tilespmem:s15+$0x10] =	vst v5  }
0x71: {  	[tilespmem:s15+$0x20] =	vst v6  }
0x72: {  	[tilespmem:s15+$0xFFFFFFC0] =	vst v7  }
0x73: {  	v6 =	vld [tilespmem:s16+$0x0]  }
0x74: {  	v7 =	vld [tilespmem:s16+$0xFFFFFFA0]  }
0x75: {  	v8 =	vld [tilespmem:s16+$0xFFFFFFB0]  }
0x76: {  	v4 =	vld [tilespmem:s16+$0xFFFFFFC0]  }
0x77: {  	v3 =	vld [tilespmem:s16+$0xFFFFFFD0]  }
0x78: {  	v5 =	vld [tilespmem:s16+$0xFFFFFFE0];
	[tilespmem:s14+$0x0] =	vst v6  }
0x79: {  	s18 =	simm.s32 $0x0;
	[tilespmem:s14+$0xFFFFFFA0] =	vst v7;
	v6 =	vld [tilespmem:s16+$0xFFFFFFF0]  }
0x7a: {  	s17 =	simm.s32 $0x19670;
	s15 =	simm.s32 $0x1B370;
	v7 =	vld [tilespmem:s16+$0xFFFFFF90];
	[tilespmem:s14+$0xFFFFFFB0] =	vst v8;
	s16 =	simm.s32 $0x194F0  }
.LBB2_10:
0x7b: {  	v8 =	vld [tilespmem:s16+$0x0];
	s18 =	sadd.s32 $0x80, s18;
	[tilespmem:s14+$0xFFFFFFC0] =	vst v4  }
0x7c: {  	v9 =	vld [tilespmem:s16+$0xFFFFFFA0];
	p0 =	slt.u32 s18, $0x180;
	[tilespmem:s14+$0xFFFFFFD0] =	vst v3  }
0x7d: {  	v10 =	vld [tilespmem:s16+$0xFFFFFFB0];
	[tilespmem:s14+$0xFFFFFFE0] =	vst v5  }
.Ltmp4:
0x7e: {  	v4 =	vld [tilespmem:s16+$0xFFFFFFC0];
	[tilespmem:s14+$0xFFFFFFF0] =	vst v6;
	(pc) =	sbr.rel @p0 .LBB2_10-.Ltmp4, $4  }
0x7f: {  	v3 =	vld [tilespmem:s16+$0xFFFFFFD0];
	[tilespmem:s14+$0xFFFFFF90] =	vst v7;
	s14 =	sadd.s32 $0x400, s14  }
0x80: {  	v5 =	vld [tilespmem:s16+$0xFFFFFFE0];
	[tilespmem:s14+$0x0] =	vst v8  }
0x81: {  	[tilespmem:s14+$0xFFFFFFA0] =	vst v9;
	v6 =	vld [tilespmem:s16+$0xFFFFFFF0]  }
0x82: {  	v7 =	vld [tilespmem:s16+$0xFFFFFF90];
	[tilespmem:s14+$0xFFFFFFB0] =	vst v10;
	s16 =	sadd.s32 $0x80, s16  }
0x83: {  	[tilespmem:s14+$0xFFFFFFC0] =	vst v4  }
0x84: {  	[tilespmem:s14+$0xFFFFFFD0] =	vst v3  }
0x85: {  	[tilespmem:s14+$0xFFFFFFE0] =	vst v5  }
0x86: {  	[tilespmem:s14+$0xFFFFFFF0] =	vst v6  }
0x87: {  	[tilespmem:s14+$0xFFFFFF90] =	vst v7  }
0x88: {  	v6 =	vld [tilespmem:s17+$0x0]  }
0x89: {  	v7 =	vld [tilespmem:s17+$0xFFFFFFA0]  }
0x8a: {  	v8 =	vld [tilespmem:s17+$0xFFFFFFB0]  }
0x8b: {  	v4 =	vld [tilespmem:s17+$0xFFFFFFC0]  }
0x8c: {  	v3 =	vld [tilespmem:s17+$0xFFFFFFD0]  }
0x8d: {  	v5 =	vld [tilespmem:s17+$0xFFFFFFE0];
	[tilespmem:s15+$0x0] =	vst v6  }
0x8e: {  	s18 =	simm.s32 $0x0;
	[tilespmem:s15+$0xFFFFFFA0] =	vst v7;
	v6 =	vld [tilespmem:s17+$0xFFFFFFF0]  }
0x8f: {  	s16 =	simm.s32 $0x19870;
	s14 =	simm.s32 $0x1B3F0;
	v7 =	vld [tilespmem:s17+$0xFFFFFF90];
	[tilespmem:s15+$0xFFFFFFB0] =	vst v8;
	s17 =	simm.s32 $0x196F0  }
.LBB2_12:
0x90: {  	v8 =	vld [tilespmem:s17+$0x0];
	s18 =	sadd.s32 $0x80, s18;
	[tilespmem:s15+$0xFFFFFFC0] =	vst v4  }
0x91: {  	v9 =	vld [tilespmem:s17+$0xFFFFFFA0];
	p0 =	slt.u32 s18, $0x180;
	[tilespmem:s15+$0xFFFFFFD0] =	vst v3  }
0x92: {  	v10 =	vld [tilespmem:s17+$0xFFFFFFB0];
	[tilespmem:s15+$0xFFFFFFE0] =	vst v5  }
.Ltmp5:
0x93: {  	v4 =	vld [tilespmem:s17+$0xFFFFFFC0];
	[tilespmem:s15+$0xFFFFFFF0] =	vst v6;
	(pc) =	sbr.rel @p0 .LBB2_12-.Ltmp5, $4  }
0x94: {  	v3 =	vld [tilespmem:s17+$0xFFFFFFD0];
	[tilespmem:s15+$0xFFFFFF90] =	vst v7;
	s15 =	sadd.s32 $0x400, s15  }
0x95: {  	v5 =	vld [tilespmem:s17+$0xFFFFFFE0];
	[tilespmem:s15+$0x0] =	vst v8  }
0x96: {  	[tilespmem:s15+$0xFFFFFFA0] =	vst v9;
	v6 =	vld [tilespmem:s17+$0xFFFFFFF0]  }
0x97: {  	v7 =	vld [tilespmem:s17+$0xFFFFFF90];
	[tilespmem:s15+$0xFFFFFFB0] =	vst v10;
	s17 =	sadd.s32 $0x80, s17  }
0x98: {  	[tilespmem:s15+$0xFFFFFFC0] =	vst v4  }
0x99: {  	[tilespmem:s15+$0xFFFFFFD0] =	vst v3  }
0x9a: {  	[tilespmem:s15+$0xFFFFFFE0] =	vst v5  }
0x9b: {  	[tilespmem:s15+$0xFFFFFFF0] =	vst v6  }
0x9c: {  	[tilespmem:s15+$0xFFFFFF90] =	vst v7  }
0x9d: {  	v6 =	vld [tilespmem:s16+$0x0]  }
0x9e: {  	v7 =	vld [tilespmem:s16+$0xFFFFFFA0]  }
0x9f: {  	v8 =	vld [tilespmem:s16+$0xFFFFFFB0]  }
0xa0: {  	v4 =	vld [tilespmem:s16+$0xFFFFFFC0]  }
0xa1: {  	v3 =	vld [tilespmem:s16+$0xFFFFFFD0]  }
0xa2: {  	v5 =	vld [tilespmem:s16+$0xFFFFFFE0];
	[tilespmem:s14+$0x0] =	vst v6  }
0xa3: {  	s18 =	simm.s32 $0x0;
	[tilespmem:s14+$0xFFFFFFA0] =	vst v7;
	v6 =	vld [tilespmem:s16+$0xFFFFFFF0]  }
0xa4: {  	s17 =	simm.s32 $0x19A70;
	s15 =	simm.s32 $0x1B470;
	v7 =	vld [tilespmem:s16+$0xFFFFFF90];
	[tilespmem:s14+$0xFFFFFFB0] =	vst v8;
	s16 =	simm.s32 $0x198F0  }
.LBB2_14:
0xa5: {  	v8 =	vld [tilespmem:s16+$0x0];
	s18 =	sadd.s32 $0x80, s18;
	[tilespmem:s14+$0xFFFFFFC0] =	vst v4  }
0xa6: {  	v9 =	vld [tilespmem:s16+$0xFFFFFFA0];
	p0 =	slt.u32 s18, $0x180;
	[tilespmem:s14+$0xFFFFFFD0] =	vst v3  }
0xa7: {  	v10 =	vld [tilespmem:s16+$0xFFFFFFB0];
	[tilespmem:s14+$0xFFFFFFE0] =	vst v5  }
.Ltmp6:
0xa8: {  	v4 =	vld [tilespmem:s16+$0xFFFFFFC0];
	[tilespmem:s14+$0xFFFFFFF0] =	vst v6;
	(pc) =	sbr.rel @p0 .LBB2_14-.Ltmp6, $4  }
0xa9: {  	v3 =	vld [tilespmem:s16+$0xFFFFFFD0];
	[tilespmem:s14+$0xFFFFFF90] =	vst v7;
	s14 =	sadd.s32 $0x400, s14  }
0xaa: {  	v5 =	vld [tilespmem:s16+$0xFFFFFFE0];
	[tilespmem:s14+$0x0] =	vst v8  }
0xab: {  	[tilespmem:s14+$0xFFFFFFA0] =	vst v9;
	v6 =	vld [tilespmem:s16+$0xFFFFFFF0]  }
0xac: {  	v7 =	vld [tilespmem:s16+$0xFFFFFF90];
	[tilespmem:s14+$0xFFFFFFB0] =	vst v10;
	s16 =	sadd.s32 $0x80, s16  }
0xad: {  	[tilespmem:s14+$0xFFFFFFC0] =	vst v4  }
0xae: {  	[tilespmem:s14+$0xFFFFFFD0] =	vst v3  }
0xaf: {  	[tilespmem:s14+$0xFFFFFFE0] =	vst v5  }
0xb0: {  	[tilespmem:s14+$0xFFFFFFF0] =	vst v6  }
0xb1: {  	[tilespmem:s14+$0xFFFFFF90] =	vst v7  }
0xb2: {  	v6 =	vld [tilespmem:s17+$0x0]  }
0xb3: {  	v7 =	vld [tilespmem:s17+$0xFFFFFFA0]  }
0xb4: {  	v8 =	vld [tilespmem:s17+$0xFFFFFFB0]  }
0xb5: {  	v4 =	vld [tilespmem:s17+$0xFFFFFFC0]  }
0xb6: {  	v3 =	vld [tilespmem:s17+$0xFFFFFFD0]  }
0xb7: {  	v5 =	vld [tilespmem:s17+$0xFFFFFFE0];
	[tilespmem:s15+$0x0] =	vst v6  }
0xb8: {  	s18 =	simm.s32 $0x0;
	[tilespmem:s15+$0xFFFFFFA0] =	vst v7;
	v6 =	vld [tilespmem:s17+$0xFFFFFFF0]  }
0xb9: {  	s16 =	simm.s32 $0x19C70;
	s14 =	simm.s32 $0x1B4F0;
	v7 =	vld [tilespmem:s17+$0xFFFFFF90];
	[tilespmem:s15+$0xFFFFFFB0] =	vst v8;
	s17 =	simm.s32 $0x19AF0  }
.LBB2_16:
0xba: {  	v8 =	vld [tilespmem:s17+$0x0];
	s18 =	sadd.s32 $0x80, s18;
	[tilespmem:s15+$0xFFFFFFC0] =	vst v4  }
0xbb: {  	v9 =	vld [tilespmem:s17+$0xFFFFFFA0];
	p0 =	slt.u32 s18, $0x180;
	[tilespmem:s15+$0xFFFFFFD0] =	vst v3  }
0xbc: {  	v10 =	vld [tilespmem:s17+$0xFFFFFFB0];
	[tilespmem:s15+$0xFFFFFFE0] =	vst v5  }
.Ltmp7:
0xbd: {  	v4 =	vld [tilespmem:s17+$0xFFFFFFC0];
	[tilespmem:s15+$0xFFFFFFF0] =	vst v6;
	(pc) =	sbr.rel @p0 .LBB2_16-.Ltmp7, $4  }
0xbe: {  	v3 =	vld [tilespmem:s17+$0xFFFFFFD0];
	[tilespmem:s15+$0xFFFFFF90] =	vst v7;
	s15 =	sadd.s32 $0x400, s15  }
0xbf: {  	v5 =	vld [tilespmem:s17+$0xFFFFFFE0];
	[tilespmem:s15+$0x0] =	vst v8  }
0xc0: {  	[tilespmem:s15+$0xFFFFFFA0] =	vst v9;
	v6 =	vld [tilespmem:s17+$0xFFFFFFF0]  }
0xc1: {  	v7 =	vld [tilespmem:s17+$0xFFFFFF90];
	[tilespmem:s15+$0xFFFFFFB0] =	vst v10;
	s17 =	sadd.s32 $0x80, s17  }
0xc2: {  	[tilespmem:s15+$0xFFFFFFC0] =	vst v4  }
0xc3: {  	[tilespmem:s15+$0xFFFFFFD0] =	vst v3  }
0xc4: {  	[tilespmem:s15+$0xFFFFFFE0] =	vst v5  }
0xc5: {  	[tilespmem:s15+$0xFFFFFFF0] =	vst v6  }
0xc6: {  	[tilespmem:s15+$0xFFFFFF90] =	vst v7  }
0xc7: {  	v6 =	vld [tilespmem:s16+$0x0]  }
0xc8: {  	v7 =	vld [tilespmem:s16+$0xFFFFFFA0]  }
0xc9: {  	v8 =	vld [tilespmem:s16+$0xFFFFFFB0]  }
0xca: {  	v4 =	vld [tilespmem:s16+$0xFFFFFFC0]  }
0xcb: {  	v3 =	vld [tilespmem:s16+$0xFFFFFFD0]  }
0xcc: {  	v5 =	vld [tilespmem:s16+$0xFFFFFFE0];
	[tilespmem:s14+$0x0] =	vst v6  }
0xcd: {  	s18 =	simm.s32 $0x0;
	[tilespmem:s14+$0xFFFFFFA0] =	vst v7;
	v6 =	vld [tilespmem:s16+$0xFFFFFFF0]  }
0xce: {  	s17 =	simm.s32 $0x19E70;
	s15 =	simm.s32 $0x1B570;
	v7 =	vld [tilespmem:s16+$0xFFFFFF90];
	[tilespmem:s14+$0xFFFFFFB0] =	vst v8;
	s16 =	simm.s32 $0x19CF0  }
.LBB2_18:
0xcf: {  	v8 =	vld [tilespmem:s16+$0x0];
	s18 =	sadd.s32 $0x80, s18;
	[tilespmem:s14+$0xFFFFFFC0] =	vst v4  }
0xd0: {  	v9 =	vld [tilespmem:s16+$0xFFFFFFA0];
	p0 =	slt.u32 s18, $0x180;
	[tilespmem:s14+$0xFFFFFFD0] =	vst v3  }
0xd1: {  	v10 =	vld [tilespmem:s16+$0xFFFFFFB0];
	[tilespmem:s14+$0xFFFFFFE0] =	vst v5  }
.Ltmp8:
0xd2: {  	v4 =	vld [tilespmem:s16+$0xFFFFFFC0];
	[tilespmem:s14+$0xFFFFFFF0] =	vst v6;
	(pc) =	sbr.rel @p0 .LBB2_18-.Ltmp8, $4  }
0xd3: {  	v3 =	vld [tilespmem:s16+$0xFFFFFFD0];
	[tilespmem:s14+$0xFFFFFF90] =	vst v7;
	s14 =	sadd.s32 $0x400, s14  }
0xd4: {  	v5 =	vld [tilespmem:s16+$0xFFFFFFE0];
	[tilespmem:s14+$0x0] =	vst v8  }
0xd5: {  	[tilespmem:s14+$0xFFFFFFA0] =	vst v9;
	v6 =	vld [tilespmem:s16+$0xFFFFFFF0]  }
0xd6: {  	v7 =	vld [tilespmem:s16+$0xFFFFFF90];
	[tilespmem:s14+$0xFFFFFFB0] =	vst v10;
	s16 =	sadd.s32 $0x80, s16  }
0xd7: {  	[tilespmem:s14+$0xFFFFFFC0] =	vst v4  }
0xd8: {  	[tilespmem:s14+$0xFFFFFFD0] =	vst v3  }
0xd9: {  	[tilespmem:s14+$0xFFFFFFE0] =	vst v5  }
0xda: {  	[tilespmem:s14+$0xFFFFFFF0] =	vst v6  }
0xdb: {  	[tilespmem:s14+$0xFFFFFF90] =	vst v7  }
0xdc: {  	v6 =	vld [tilespmem:s17+$0x0]  }
0xdd: {  	v7 =	vld [tilespmem:s17+$0xFFFFFFA0]  }
0xde: {  	v8 =	vld [tilespmem:s17+$0xFFFFFFB0]  }
0xdf: {  	v4 =	vld [tilespmem:s17+$0xFFFFFFC0]  }
0xe0: {  	v3 =	vld [tilespmem:s17+$0xFFFFFFD0]  }
0xe1: {  	v5 =	vld [tilespmem:s17+$0xFFFFFFE0];
	[tilespmem:s15+$0x0] =	vst v6  }
0xe2: {  	s18 =	simm.s32 $0x0;
	[tilespmem:s15+$0xFFFFFFA0] =	vst v7;
	v6 =	vld [tilespmem:s17+$0xFFFFFFF0]  }
0xe3: {  	s16 =	simm.s32 $0x1A070;
	s14 =	simm.s32 $0x1B5F0;
	v7 =	vld [tilespmem:s17+$0xFFFFFF90];
	[tilespmem:s15+$0xFFFFFFB0] =	vst v8;
	s17 =	simm.s32 $0x19EF0  }
.LBB2_20:
0xe4: {  	v8 =	vld [tilespmem:s17+$0x0];
	s18 =	sadd.s32 $0x80, s18;
	[tilespmem:s15+$0xFFFFFFC0] =	vst v4  }
0xe5: {  	v9 =	vld [tilespmem:s17+$0xFFFFFFA0];
	p0 =	slt.u32 s18, $0x180;
	[tilespmem:s15+$0xFFFFFFD0] =	vst v3  }
0xe6: {  	v10 =	vld [tilespmem:s17+$0xFFFFFFB0];
	[tilespmem:s15+$0xFFFFFFE0] =	vst v5  }
.Ltmp9:
0xe7: {  	v4 =	vld [tilespmem:s17+$0xFFFFFFC0];
	[tilespmem:s15+$0xFFFFFFF0] =	vst v6;
	(pc) =	sbr.rel @p0 .LBB2_20-.Ltmp9, $4  }
0xe8: {  	v3 =	vld [tilespmem:s17+$0xFFFFFFD0];
	[tilespmem:s15+$0xFFFFFF90] =	vst v7;
	s15 =	sadd.s32 $0x400, s15  }
0xe9: {  	v5 =	vld [tilespmem:s17+$0xFFFFFFE0];
	[tilespmem:s15+$0x0] =	vst v8  }
0xea: {  	[tilespmem:s15+$0xFFFFFFA0] =	vst v9;
	v6 =	vld [tilespmem:s17+$0xFFFFFFF0]  }
0xeb: {  	v7 =	vld [tilespmem:s17+$0xFFFFFF90];
	[tilespmem:s15+$0xFFFFFFB0] =	vst v10;
	s17 =	sadd.s32 $0x80, s17  }
0xec: {  	[tilespmem:s15+$0xFFFFFFC0] =	vst v4  }
0xed: {  	[tilespmem:s15+$0xFFFFFFD0] =	vst v3  }
0xee: {  	[tilespmem:s15+$0xFFFFFFE0] =	vst v5  }
0xef: {  	[tilespmem:s15+$0xFFFFFFF0] =	vst v6  }
0xf0: {  	[tilespmem:s15+$0xFFFFFF90] =	vst v7  }
0xf1: {  	v6 =	vld [tilespmem:s16+$0x0]  }
0xf2: {  	v7 =	vld [tilespmem:s16+$0xFFFFFFA0]  }
0xf3: {  	v8 =	vld [tilespmem:s16+$0xFFFFFFB0]  }
0xf4: {  	v4 =	vld [tilespmem:s16+$0xFFFFFFC0]  }
0xf5: {  	v3 =	vld [tilespmem:s16+$0xFFFFFFD0]  }
0xf6: {  	v5 =	vld [tilespmem:s16+$0xFFFFFFE0];
	[tilespmem:s14+$0x0] =	vst v6  }
0xf7: {  	s18 =	simm.s32 $0x0;
	[tilespmem:s14+$0xFFFFFFA0] =	vst v7;
	v6 =	vld [tilespmem:s16+$0xFFFFFFF0]  }
0xf8: {  	s17 =	simm.s32 $0x1A270;
	s15 =	simm.s32 $0x1C270;
	v7 =	vld [tilespmem:s16+$0xFFFFFF90];
	[tilespmem:s14+$0xFFFFFFB0] =	vst v8;
	s16 =	simm.s32 $0x1A0F0  }
.LBB2_22:
0xf9: {  	v8 =	vld [tilespmem:s16+$0x0];
	s18 =	sadd.s32 $0x80, s18;
	[tilespmem:s14+$0xFFFFFFC0] =	vst v4  }
0xfa: {  	v9 =	vld [tilespmem:s16+$0xFFFFFFA0];
	p0 =	slt.u32 s18, $0x180;
	[tilespmem:s14+$0xFFFFFFD0] =	vst v3  }
0xfb: {  	v10 =	vld [tilespmem:s16+$0xFFFFFFB0];
	[tilespmem:s14+$0xFFFFFFE0] =	vst v5  }
.Ltmp10:
0xfc: {  	v4 =	vld [tilespmem:s16+$0xFFFFFFC0];
	[tilespmem:s14+$0xFFFFFFF0] =	vst v6;
	(pc) =	sbr.rel @p0 .LBB2_22-.Ltmp10, $4  }
0xfd: {  	v3 =	vld [tilespmem:s16+$0xFFFFFFD0];
	[tilespmem:s14+$0xFFFFFF90] =	vst v7;
	s14 =	sadd.s32 $0x400, s14  }
0xfe: {  	v5 =	vld [tilespmem:s16+$0xFFFFFFE0];
	[tilespmem:s14+$0x0] =	vst v8  }
0xff: {  	[tilespmem:s14+$0xFFFFFFA0] =	vst v9;
	v6 =	vld [tilespmem:s16+$0xFFFFFFF0]  }
0x100: {  	v7 =	vld [tilespmem:s16+$0xFFFFFF90];
	[tilespmem:s14+$0xFFFFFFB0] =	vst v10;
	s16 =	sadd.s32 $0x80, s16  }
0x101: {  	[tilespmem:s14+$0xFFFFFFC0] =	vst v4  }
0x102: {  	[tilespmem:s14+$0xFFFFFFD0] =	vst v3  }
0x103: {  	[tilespmem:s14+$0xFFFFFFE0] =	vst v5  }
0x104: {  	[tilespmem:s14+$0xFFFFFFF0] =	vst v6  }
0x105: {  	[tilespmem:s14+$0xFFFFFF90] =	vst v7  }
0x106: {  	v6 =	vld [tilespmem:s17+$0x0]  }
0x107: {  	v7 =	vld [tilespmem:s17+$0xFFFFFFA0]  }
0x108: {  	v8 =	vld [tilespmem:s17+$0xFFFFFFB0]  }
0x109: {  	v4 =	vld [tilespmem:s17+$0xFFFFFFC0]  }
0x10a: {  	v3 =	vld [tilespmem:s17+$0xFFFFFFD0]  }
0x10b: {  	v5 =	vld [tilespmem:s17+$0xFFFFFFE0];
	[tilespmem:s15+$0x0] =	vst v6  }
0x10c: {  	s18 =	simm.s32 $0x0;
	[tilespmem:s15+$0xFFFFFFA0] =	vst v7;
	v6 =	vld [tilespmem:s17+$0xFFFFFFF0]  }
0x10d: {  	s16 =	simm.s32 $0x1A470;
	s14 =	simm.s32 $0x1C2F0;
	v7 =	vld [tilespmem:s17+$0xFFFFFF90];
	[tilespmem:s15+$0xFFFFFFB0] =	vst v8;
	s17 =	simm.s32 $0x1A2F0  }
.LBB2_24:
0x10e: {  	v8 =	vld [tilespmem:s17+$0x0];
	s18 =	sadd.s32 $0x80, s18;
	[tilespmem:s15+$0xFFFFFFC0] =	vst v4  }
0x10f: {  	v9 =	vld [tilespmem:s17+$0xFFFFFFA0];
	p0 =	slt.u32 s18, $0x180;
	[tilespmem:s15+$0xFFFFFFD0] =	vst v3  }
0x110: {  	v10 =	vld [tilespmem:s17+$0xFFFFFFB0];
	[tilespmem:s15+$0xFFFFFFE0] =	vst v5  }
.Ltmp11:
0x111: {  	v4 =	vld [tilespmem:s17+$0xFFFFFFC0];
	[tilespmem:s15+$0xFFFFFFF0] =	vst v6;
	(pc) =	sbr.rel @p0 .LBB2_24-.Ltmp11, $4  }
0x112: {  	v3 =	vld [tilespmem:s17+$0xFFFFFFD0];
	[tilespmem:s15+$0xFFFFFF90] =	vst v7;
	s15 =	sadd.s32 $0x400, s15  }
0x113: {  	v5 =	vld [tilespmem:s17+$0xFFFFFFE0];
	[tilespmem:s15+$0x0] =	vst v8  }
0x114: {  	[tilespmem:s15+$0xFFFFFFA0] =	vst v9;
	v6 =	vld [tilespmem:s17+$0xFFFFFFF0]  }
0x115: {  	v7 =	vld [tilespmem:s17+$0xFFFFFF90];
	[tilespmem:s15+$0xFFFFFFB0] =	vst v10;
	s17 =	sadd.s32 $0x80, s17  }
0x116: {  	[tilespmem:s15+$0xFFFFFFC0] =	vst v4  }
0x117: {  	[tilespmem:s15+$0xFFFFFFD0] =	vst v3  }
0x118: {  	[tilespmem:s15+$0xFFFFFFE0] =	vst v5  }
0x119: {  	[tilespmem:s15+$0xFFFFFFF0] =	vst v6  }
0x11a: {  	[tilespmem:s15+$0xFFFFFF90] =	vst v7  }
0x11b: {  	v6 =	vld [tilespmem:s16+$0x0]  }
0x11c: {  	v7 =	vld [tilespmem:s16+$0xFFFFFFA0]  }
0x11d: {  	v8 =	vld [tilespmem:s16+$0xFFFFFFB0]  }
0x11e: {  	v4 =	vld [tilespmem:s16+$0xFFFFFFC0]  }
0x11f: {  	v3 =	vld [tilespmem:s16+$0xFFFFFFD0]  }
0x120: {  	v5 =	vld [tilespmem:s16+$0xFFFFFFE0];
	[tilespmem:s14+$0x0] =	vst v6  }
0x121: {  	s18 =	simm.s32 $0x0;
	[tilespmem:s14+$0xFFFFFFA0] =	vst v7;
	v6 =	vld [tilespmem:s16+$0xFFFFFFF0]  }
0x122: {  	s17 =	simm.s32 $0x1A670;
	s15 =	simm.s32 $0x1C370;
	v7 =	vld [tilespmem:s16+$0xFFFFFF90];
	[tilespmem:s14+$0xFFFFFFB0] =	vst v8;
	s16 =	simm.s32 $0x1A4F0  }
.LBB2_26:
0x123: {  	v8 =	vld [tilespmem:s16+$0x0];
	s18 =	sadd.s32 $0x80, s18;
	[tilespmem:s14+$0xFFFFFFC0] =	vst v4  }
0x124: {  	v9 =	vld [tilespmem:s16+$0xFFFFFFA0];
	p0 =	slt.u32 s18, $0x180;
	[tilespmem:s14+$0xFFFFFFD0] =	vst v3  }
0x125: {  	v10 =	vld [tilespmem:s16+$0xFFFFFFB0];
	[tilespmem:s14+$0xFFFFFFE0] =	vst v5  }
.Ltmp12:
0x126: {  	v4 =	vld [tilespmem:s16+$0xFFFFFFC0];
	[tilespmem:s14+$0xFFFFFFF0] =	vst v6;
	(pc) =	sbr.rel @p0 .LBB2_26-.Ltmp12, $4  }
0x127: {  	v3 =	vld [tilespmem:s16+$0xFFFFFFD0];
	[tilespmem:s14+$0xFFFFFF90] =	vst v7;
	s14 =	sadd.s32 $0x400, s14  }
0x128: {  	v5 =	vld [tilespmem:s16+$0xFFFFFFE0];
	[tilespmem:s14+$0x0] =	vst v8  }
0x129: {  	[tilespmem:s14+$0xFFFFFFA0] =	vst v9;
	v6 =	vld [tilespmem:s16+$0xFFFFFFF0]  }
0x12a: {  	v7 =	vld [tilespmem:s16+$0xFFFFFF90];
	[tilespmem:s14+$0xFFFFFFB0] =	vst v10;
	s16 =	sadd.s32 $0x80, s16  }
0x12b: {  	[tilespmem:s14+$0xFFFFFFC0] =	vst v4  }
0x12c: {  	[tilespmem:s14+$0xFFFFFFD0] =	vst v3  }
0x12d: {  	[tilespmem:s14+$0xFFFFFFE0] =	vst v5  }
0x12e: {  	[tilespmem:s14+$0xFFFFFFF0] =	vst v6  }
0x12f: {  	[tilespmem:s14+$0xFFFFFF90] =	vst v7  }
0x130: {  	v6 =	vld [tilespmem:s17+$0x0]  }
0x131: {  	v7 =	vld [tilespmem:s17+$0xFFFFFFA0]  }
0x132: {  	v8 =	vld [tilespmem:s17+$0xFFFFFFB0]  }
0x133: {  	v4 =	vld [tilespmem:s17+$0xFFFFFFC0]  }
0x134: {  	v3 =	vld [tilespmem:s17+$0xFFFFFFD0]  }
0x135: {  	v5 =	vld [tilespmem:s17+$0xFFFFFFE0];
	[tilespmem:s15+$0x0] =	vst v6  }
0x136: {  	s18 =	simm.s32 $0x0;
	[tilespmem:s15+$0xFFFFFFA0] =	vst v7;
	v6 =	vld [tilespmem:s17+$0xFFFFFFF0]  }
0x137: {  	s16 =	simm.s32 $0x1A870;
	s14 =	simm.s32 $0x1C3F0;
	v7 =	vld [tilespmem:s17+$0xFFFFFF90];
	[tilespmem:s15+$0xFFFFFFB0] =	vst v8;
	s17 =	simm.s32 $0x1A6F0  }
.LBB2_28:
0x138: {  	v8 =	vld [tilespmem:s17+$0x0];
	s18 =	sadd.s32 $0x80, s18;
	[tilespmem:s15+$0xFFFFFFC0] =	vst v4  }
0x139: {  	v9 =	vld [tilespmem:s17+$0xFFFFFFA0];
	p0 =	slt.u32 s18, $0x180;
	[tilespmem:s15+$0xFFFFFFD0] =	vst v3  }
0x13a: {  	v10 =	vld [tilespmem:s17+$0xFFFFFFB0];
	[tilespmem:s15+$0xFFFFFFE0] =	vst v5  }
.Ltmp13:
0x13b: {  	v4 =	vld [tilespmem:s17+$0xFFFFFFC0];
	[tilespmem:s15+$0xFFFFFFF0] =	vst v6;
	(pc) =	sbr.rel @p0 .LBB2_28-.Ltmp13, $4  }
0x13c: {  	v3 =	vld [tilespmem:s17+$0xFFFFFFD0];
	[tilespmem:s15+$0xFFFFFF90] =	vst v7;
	s15 =	sadd.s32 $0x400, s15  }
0x13d: {  	v5 =	vld [tilespmem:s17+$0xFFFFFFE0];
	[tilespmem:s15+$0x0] =	vst v8  }
0x13e: {  	[tilespmem:s15+$0xFFFFFFA0] =	vst v9;
	v6 =	vld [tilespmem:s17+$0xFFFFFFF0]  }
0x13f: {  	v7 =	vld [tilespmem:s17+$0xFFFFFF90];
	[tilespmem:s15+$0xFFFFFFB0] =	vst v10;
	s17 =	sadd.s32 $0x80, s17  }
0x140: {  	[tilespmem:s15+$0xFFFFFFC0] =	vst v4  }
0x141: {  	[tilespmem:s15+$0xFFFFFFD0] =	vst v3  }
0x142: {  	[tilespmem:s15+$0xFFFFFFE0] =	vst v5  }
0x143: {  	[tilespmem:s15+$0xFFFFFFF0] =	vst v6  }
0x144: {  	[tilespmem:s15+$0xFFFFFF90] =	vst v7  }
0x145: {  	v6 =	vld [tilespmem:s16+$0x0]  }
0x146: {  	v7 =	vld [tilespmem:s16+$0xFFFFFFA0]  }
0x147: {  	v8 =	vld [tilespmem:s16+$0xFFFFFFB0]  }
0x148: {  	v4 =	vld [tilespmem:s16+$0xFFFFFFC0]  }
0x149: {  	v3 =	vld [tilespmem:s16+$0xFFFFFFD0]  }
0x14a: {  	v5 =	vld [tilespmem:s16+$0xFFFFFFE0];
	[tilespmem:s14+$0x0] =	vst v6  }
0x14b: {  	s18 =	simm.s32 $0x0;
	[tilespmem:s14+$0xFFFFFFA0] =	vst v7;
	v6 =	vld [tilespmem:s16+$0xFFFFFFF0]  }
0x14c: {  	s17 =	simm.s32 $0x1AA70;
	s15 =	simm.s32 $0x1C470;
	v7 =	vld [tilespmem:s16+$0xFFFFFF90];
	[tilespmem:s14+$0xFFFFFFB0] =	vst v8;
	s16 =	simm.s32 $0x1A8F0  }
.LBB2_30:
0x14d: {  	v8 =	vld [tilespmem:s16+$0x0];
	s18 =	sadd.s32 $0x80, s18;
	[tilespmem:s14+$0xFFFFFFC0] =	vst v4  }
0x14e: {  	v9 =	vld [tilespmem:s16+$0xFFFFFFA0];
	p0 =	slt.u32 s18, $0x180;
	[tilespmem:s14+$0xFFFFFFD0] =	vst v3  }
0x14f: {  	v10 =	vld [tilespmem:s16+$0xFFFFFFB0];
	[tilespmem:s14+$0xFFFFFFE0] =	vst v5  }
.Ltmp14:
0x150: {  	v4 =	vld [tilespmem:s16+$0xFFFFFFC0];
	[tilespmem:s14+$0xFFFFFFF0] =	vst v6;
	(pc) =	sbr.rel @p0 .LBB2_30-.Ltmp14, $4  }
0x151: {  	v3 =	vld [tilespmem:s16+$0xFFFFFFD0];
	[tilespmem:s14+$0xFFFFFF90] =	vst v7;
	s14 =	sadd.s32 $0x400, s14  }
0x152: {  	v5 =	vld [tilespmem:s16+$0xFFFFFFE0];
	[tilespmem:s14+$0x0] =	vst v8  }
0x153: {  	[tilespmem:s14+$0xFFFFFFA0] =	vst v9;
	v6 =	vld [tilespmem:s16+$0xFFFFFFF0]  }
0x154: {  	v7 =	vld [tilespmem:s16+$0xFFFFFF90];
	[tilespmem:s14+$0xFFFFFFB0] =	vst v10;
	s16 =	sadd.s32 $0x80, s16  }
0x155: {  	[tilespmem:s14+$0xFFFFFFC0] =	vst v4  }
0x156: {  	[tilespmem:s14+$0xFFFFFFD0] =	vst v3  }
0x157: {  	[tilespmem:s14+$0xFFFFFFE0] =	vst v5  }
0x158: {  	[tilespmem:s14+$0xFFFFFFF0] =	vst v6  }
0x159: {  	[tilespmem:s14+$0xFFFFFF90] =	vst v7  }
0x15a: {  	v6 =	vld [tilespmem:s17+$0x0]  }
0x15b: {  	v7 =	vld [tilespmem:s17+$0xFFFFFFA0]  }
0x15c: {  	v8 =	vld [tilespmem:s17+$0xFFFFFFB0]  }
0x15d: {  	v4 =	vld [tilespmem:s17+$0xFFFFFFC0]  }
0x15e: {  	v3 =	vld [tilespmem:s17+$0xFFFFFFD0]  }
0x15f: {  	v5 =	vld [tilespmem:s17+$0xFFFFFFE0];
	[tilespmem:s15+$0x0] =	vst v6  }
0x160: {  	s18 =	simm.s32 $0x0;
	[tilespmem:s15+$0xFFFFFFA0] =	vst v7;
	v6 =	vld [tilespmem:s17+$0xFFFFFFF0]  }
0x161: {  	s16 =	simm.s32 $0x1AC70;
	s14 =	simm.s32 $0x1C4F0;
	v7 =	vld [tilespmem:s17+$0xFFFFFF90];
	[tilespmem:s15+$0xFFFFFFB0] =	vst v8;
	s17 =	simm.s32 $0x1AAF0  }
.LBB2_32:
0x162: {  	v8 =	vld [tilespmem:s17+$0x0];
	s18 =	sadd.s32 $0x80, s18;
	[tilespmem:s15+$0xFFFFFFC0] =	vst v4  }
0x163: {  	v9 =	vld [tilespmem:s17+$0xFFFFFFA0];
	p0 =	slt.u32 s18, $0x180;
	[tilespmem:s15+$0xFFFFFFD0] =	vst v3  }
0x164: {  	v10 =	vld [tilespmem:s17+$0xFFFFFFB0];
	[tilespmem:s15+$0xFFFFFFE0] =	vst v5  }
.Ltmp15:
0x165: {  	v4 =	vld [tilespmem:s17+$0xFFFFFFC0];
	[tilespmem:s15+$0xFFFFFFF0] =	vst v6;
	(pc) =	sbr.rel @p0 .LBB2_32-.Ltmp15, $4  }
0x166: {  	v3 =	vld [tilespmem:s17+$0xFFFFFFD0];
	[tilespmem:s15+$0xFFFFFF90] =	vst v7;
	s15 =	sadd.s32 $0x400, s15  }
0x167: {  	v5 =	vld [tilespmem:s17+$0xFFFFFFE0];
	[tilespmem:s15+$0x0] =	vst v8  }
0x168: {  	[tilespmem:s15+$0xFFFFFFA0] =	vst v9;
	v6 =	vld [tilespmem:s17+$0xFFFFFFF0]  }
0x169: {  	v7 =	vld [tilespmem:s17+$0xFFFFFF90];
	[tilespmem:s15+$0xFFFFFFB0] =	vst v10;
	s17 =	sadd.s32 $0x80, s17  }
0x16a: {  	[tilespmem:s15+$0xFFFFFFC0] =	vst v4  }
0x16b: {  	[tilespmem:s15+$0xFFFFFFD0] =	vst v3  }
0x16c: {  	[tilespmem:s15+$0xFFFFFFE0] =	vst v5  }
0x16d: {  	[tilespmem:s15+$0xFFFFFFF0] =	vst v6  }
0x16e: {  	[tilespmem:s15+$0xFFFFFF90] =	vst v7  }
0x16f: {  	v6 =	vld [tilespmem:s16+$0x0]  }
0x170: {  	v7 =	vld [tilespmem:s16+$0xFFFFFFA0]  }
0x171: {  	v8 =	vld [tilespmem:s16+$0xFFFFFFB0]  }
0x172: {  	v4 =	vld [tilespmem:s16+$0xFFFFFFC0]  }
0x173: {  	v3 =	vld [tilespmem:s16+$0xFFFFFFD0]  }
0x174: {  	v5 =	vld [tilespmem:s16+$0xFFFFFFE0];
	[tilespmem:s14+$0x0] =	vst v6  }
0x175: {  	s18 =	simm.s32 $0x0;
	[tilespmem:s14+$0xFFFFFFA0] =	vst v7;
	v6 =	vld [tilespmem:s16+$0xFFFFFFF0]  }
0x176: {  	s17 =	simm.s32 $0x1AE70;
	s15 =	simm.s32 $0x1C570;
	v7 =	vld [tilespmem:s16+$0xFFFFFF90];
	[tilespmem:s14+$0xFFFFFFB0] =	vst v8;
	s16 =	simm.s32 $0x1ACF0  }
.LBB2_34:
0x177: {  	v8 =	vld [tilespmem:s16+$0x0];
	s18 =	sadd.s32 $0x80, s18;
	[tilespmem:s14+$0xFFFFFFC0] =	vst v4  }
0x178: {  	v9 =	vld [tilespmem:s16+$0xFFFFFFA0];
	p0 =	slt.u32 s18, $0x180;
	[tilespmem:s14+$0xFFFFFFD0] =	vst v3  }
0x179: {  	v10 =	vld [tilespmem:s16+$0xFFFFFFB0];
	[tilespmem:s14+$0xFFFFFFE0] =	vst v5  }
.Ltmp16:
0x17a: {  	v4 =	vld [tilespmem:s16+$0xFFFFFFC0];
	[tilespmem:s14+$0xFFFFFFF0] =	vst v6;
	(pc) =	sbr.rel @p0 .LBB2_34-.Ltmp16, $4  }
0x17b: {  	v3 =	vld [tilespmem:s16+$0xFFFFFFD0];
	[tilespmem:s14+$0xFFFFFF90] =	vst v7;
	s14 =	sadd.s32 $0x400, s14  }
0x17c: {  	v5 =	vld [tilespmem:s16+$0xFFFFFFE0];
	[tilespmem:s14+$0x0] =	vst v8  }
0x17d: {  	[tilespmem:s14+$0xFFFFFFA0] =	vst v9;
	v6 =	vld [tilespmem:s16+$0xFFFFFFF0]  }
0x17e: {  	v7 =	vld [tilespmem:s16+$0xFFFFFF90];
	[tilespmem:s14+$0xFFFFFFB0] =	vst v10;
	s16 =	sadd.s32 $0x80, s16  }
0x17f: {  	[tilespmem:s14+$0xFFFFFFC0] =	vst v4  }
0x180: {  	[tilespmem:s14+$0xFFFFFFD0] =	vst v3  }
0x181: {  	[tilespmem:s14+$0xFFFFFFE0] =	vst v5  }
0x182: {  	[tilespmem:s14+$0xFFFFFFF0] =	vst v6  }
0x183: {  	[tilespmem:s14+$0xFFFFFF90] =	vst v7  }
0x184: {  	v6 =	vld [tilespmem:s17+$0x0]  }
0x185: {  	v7 =	vld [tilespmem:s17+$0xFFFFFFA0]  }
0x186: {  	v8 =	vld [tilespmem:s17+$0xFFFFFFB0]  }
0x187: {  	v4 =	vld [tilespmem:s17+$0xFFFFFFC0]  }
0x188: {  	v3 =	vld [tilespmem:s17+$0xFFFFFFD0]  }
0x189: {  	v5 =	vld [tilespmem:s17+$0xFFFFFFE0];
	[tilespmem:s15+$0x0] =	vst v6  }
0x18a: {  	s18 =	simm.s32 $0x0;
	[tilespmem:s15+$0xFFFFFFA0] =	vst v7;
	v6 =	vld [tilespmem:s17+$0xFFFFFFF0]  }
0x18b: {  	s16 =	simm.s32 $0x1B070;
	s14 =	simm.s32 $0x1C5F0;
	v7 =	vld [tilespmem:s17+$0xFFFFFF90];
	[tilespmem:s15+$0xFFFFFFB0] =	vst v8;
	s17 =	simm.s32 $0x1AEF0  }
.LBB2_36:
0x18c: {  	v8 =	vld [tilespmem:s17+$0x0];
	s18 =	sadd.s32 $0x80, s18;
	[tilespmem:s15+$0xFFFFFFC0] =	vst v4  }
0x18d: {  	v9 =	vld [tilespmem:s17+$0xFFFFFFA0];
	p0 =	slt.u32 s18, $0x180;
	[tilespmem:s15+$0xFFFFFFD0] =	vst v3  }
0x18e: {  	v10 =	vld [tilespmem:s17+$0xFFFFFFB0];
	[tilespmem:s15+$0xFFFFFFE0] =	vst v5  }
.Ltmp17:
0x18f: {  	v4 =	vld [tilespmem:s17+$0xFFFFFFC0];
	[tilespmem:s15+$0xFFFFFFF0] =	vst v6;
	(pc) =	sbr.rel @p0 .LBB2_36-.Ltmp17, $4  }
0x190: {  	v3 =	vld [tilespmem:s17+$0xFFFFFFD0];
	[tilespmem:s15+$0xFFFFFF90] =	vst v7;
	s15 =	sadd.s32 $0x400, s15  }
0x191: {  	v5 =	vld [tilespmem:s17+$0xFFFFFFE0];
	[tilespmem:s15+$0x0] =	vst v8  }
0x192: {  	[tilespmem:s15+$0xFFFFFFA0] =	vst v9;
	v6 =	vld [tilespmem:s17+$0xFFFFFFF0]  }
0x193: {  	v7 =	vld [tilespmem:s17+$0xFFFFFF90];
	[tilespmem:s15+$0xFFFFFFB0] =	vst v10;
	s17 =	sadd.s32 $0x80, s17  }
0x194: {  	[tilespmem:s15+$0xFFFFFFC0] =	vst v4  }
0x195: {  	[tilespmem:s15+$0xFFFFFFD0] =	vst v3  }
0x196: {  	[tilespmem:s15+$0xFFFFFFE0] =	vst v5  }
0x197: {  	[tilespmem:s15+$0xFFFFFFF0] =	vst v6  }
0x198: {  	[tilespmem:s15+$0xFFFFFF90] =	vst v7  }
0x199: {  	v6 =	vld [tilespmem:s16+$0x0]  }
0x19a: {  	v7 =	vld [tilespmem:s16+$0xFFFFFFA0]  }
0x19b: {  	v8 =	vld [tilespmem:s16+$0xFFFFFFB0]  }
0x19c: {  	v4 =	vld [tilespmem:s16+$0xFFFFFFC0]  }
0x19d: {  	v3 =	vld [tilespmem:s16+$0xFFFFFFD0]  }
0x19e: {  	v5 =	vld [tilespmem:s16+$0xFFFFFFE0];
	[tilespmem:s14+$0x0] =	vst v6  }
0x19f: {  	[tilespmem:s14+$0xFFFFFFA0] =	vst v7;
	v6 =	vld [tilespmem:s16+$0xFFFFFFF0]  }
0x1a0: {  	s15 =	simm.s32 $0x0;
	v7 =	vld [tilespmem:s16+$0xFFFFFF90];
	[tilespmem:s14+$0xFFFFFFB0] =	vst v8;
	s16 =	simm.s32 $0x1B0F0  }
.LBB2_38:
0x1a1: {  	v8 =	vld [tilespmem:s16+$0x0];
	s15 =	sadd.s32 $0x80, s15;
	[tilespmem:s14+$0xFFFFFFC0] =	vst v4  }
0x1a2: {  	v9 =	vld [tilespmem:s16+$0xFFFFFFA0];
	p0 =	slt.u32 s15, $0x180;
	[tilespmem:s14+$0xFFFFFFD0] =	vst v3  }
0x1a3: {  	v10 =	vld [tilespmem:s16+$0xFFFFFFB0];
	[tilespmem:s14+$0xFFFFFFE0] =	vst v5  }
.Ltmp18:
0x1a4: {  	v4 =	vld [tilespmem:s16+$0xFFFFFFC0];
	[tilespmem:s14+$0xFFFFFFF0] =	vst v6;
	(pc) =	sbr.rel @p0 .LBB2_38-.Ltmp18, $4  }
0x1a5: {  	v3 =	vld [tilespmem:s16+$0xFFFFFFD0];
	[tilespmem:s14+$0xFFFFFF90] =	vst v7;
	s14 =	sadd.s32 $0x400, s14  }
0x1a6: {  	v5 =	vld [tilespmem:s16+$0xFFFFFFE0];
	[tilespmem:s14+$0x0] =	vst v8  }
0x1a7: {  	[tilespmem:s14+$0xFFFFFFA0] =	vst v9;
	v6 =	vld [tilespmem:s16+$0xFFFFFFF0]  }
0x1a8: {  	v7 =	vld [tilespmem:s16+$0xFFFFFF90];
	[tilespmem:s14+$0xFFFFFFB0] =	vst v10;
	s16 =	sadd.s32 $0x80, s16  }
0x1a9: {  	[tilespmem:s14+$0xFFFFFFC0] =	vst v4  }
0x1aa: {  	[tilespmem:s14+$0xFFFFFFD0] =	vst v3  }
0x1ab: {  	s13 =	sadd.s32 $0x1, s13;
	[tilespmem:s14+$0xFFFFFFE0] =	vst v5  }
0x1ac: {  	p0 =	sne.s32 s13, s6;
	[tilespmem:s14+$0xFFFFFFF0] =	vst v6  }
.Ltmp19:
0x1ad: {  	[tilespmem:s14+$0xFFFFFF90] =	vst v7;
	(pc) =	sbr.rel @p0 .LBB2_1-.Ltmp19, $4  }
0x1ae: {  	[hbm4b:s5+s7] =	stream.strided.scatter [tilespmem:s12], [sflag:$0x1], $0x2000, s8, s7, $0x38;
	[tilespmem:$0x1D200] =	vst v63  }
0x1af: {  	_ =	swait.ge [sflag:s9], $0x2000  }
0x1b0: {  	[sflag:s9] =	ssyncset.done $0x0  }
0x1b1: {  	[sflag:s9] =	ssyncadd.s32 $0xFFFFE000  }
0x1b2: {  	_ =	sfence.sel $0x180000  }
0x1b3: {  	[bflag:$0x0] =	sbarrier.arrive $0xFFFF  }
0x1b4: {  	p0 =	sne.s32 s1, $0x0;
	_ =	strace $0x90000047  }
0x1b5: {  	s0 =	sadd.s32 @!p0 $0x100000, s0;
	[bflag:$0x2] =	sbarrier.arrive $0xFFFF  }
0x1b6: {  	[sflag:s0] =	ssyncadd.tile.s32 @!p0 $0x1;
	_ =	shalt  }
.Lfunc_end2:
_tile_overlayer_lowered:
.L_overlay_start_2:
0x1b7: {  	(tag) =	ssettag $0x2  }
0x1b8: {  	s0 =	rddreg [dreg:$0x0];
	s2 =	stileid.u32  }
0x1b9: {  	s1 =	rddreg [dreg:$0x1];
	p0 =	sne.s32 s2, $0x0  }
0x1ba: {  	s3 =	rddreg [dreg:$0x2];
	[bflag:$0x3] =	sbarrier.arrive $0xFFFF;
	s2 =	simm.s32 @!p0 $0x1C01  }
0x1bb: {  	[timem:s3], [sflag:s2] =	dma.local @!p0 [hbm:s0], s1  }
0x1bc: {  	s0 =	simm.s32 @!p0 $0x1  }
0x1bd: {  	_ =	swait.ge @!p0 [sflag:s0], s1  }
0x1be: {  	s1 =	ssub.s32 @!p0 $0x0, s1;
	[sflag:s0] =	ssyncset.done @!p0 $0x0  }
0x1bf: {  	[sflag:s0] =	ssyncadd.s32 @!p0 s1  }
0x1c0: {  	[bflag:$0x3] =	sbarrier.arrive $0xFFFF  }
0x1c1: {  	_ =	shalt  }

</sc_bundles>
